<compile_context>
chip_gen: v7x
topology: tpu7x:2x2x1
jax: 0.10.2.dev20260603
libtpu: 0.0.44.dev20260713+nightly
codegen_flags: <defaults>
</compile_context>

<pallas_src>
import functools

import jax
import jax.numpy as jnp
from jax import lax
from jax.experimental import pallas as pl
from jax.experimental.pallas import tpu as pltpu
from jax.experimental.pallas import tpu_sc as plsc

N_FIELDS = 26
VOCAB = 100000
D = 32
B = 16384

HB = B // 2
UNR = 8
VC0 = 50048
VC1 = 49920
TB = VC0 + VC1
TL = VOCAB - TB

_mesh = plsc.VectorSubcoreMesh(core_axis_name="c", subcore_axis_name="s")


@functools.partial(
    pl.kernel,
    mesh=_mesh,
    compiler_params=pltpu.CompilerParams(use_tc_tiling_on_sc=True,
                                         needs_layout_passes=False),
    out_type=jax.ShapeDtypeStruct((N_FIELDS, D, B), jnp.float32),
    scratch_types=[
        pltpu.VMEM_SHARED((8, VOCAB), jnp.float32),
        pltpu.VMEM_SHARED((8, B), jnp.float32),
        pltpu.VMEM((VC0,), jnp.float32),
        pltpu.VMEM((8, TL), jnp.float32),
        pltpu.VMEM((HB,), jnp.int32),
        pltpu.VMEM((HB,), jnp.float32),
        pltpu.VMEM((D,), jnp.float32),
    ],
)
def _emb_lookup(xq_hbm, tt_hbm, tailq_hbm, biasq_hbm, out_hbm,
                stage_s, out_s, plane_v, tail_v, idx_v, res_v,
                bias_v):
    c = lax.axis_index("c")
    s = lax.axis_index("s")
    p = s % 8
    h = s // 8
    d_lo = pl.multiple_of(c * 16, 16)
    lane = lax.broadcasted_iota(jnp.int32, (16,), 0)

    def field_body(f, carry):
        pltpu.sync_copy(xq_hbm.at[f, h, :], idx_v)
        pltpu.sync_copy(biasq_hbm.at[f, 0, :], bias_v)
        bv16 = bias_v[pl.ds(d_lo % D, 16)]

        def group_body(j, carryj):
            d8 = pl.multiple_of(c * 16 + j * 8, 8)

            @pl.when(s == 0)
            def _():
                pltpu.sync_copy(tt_hbm.at[f, pl.ds(d8, 8), :], stage_s)

            plsc.subcore_barrier()

            pltpu.sync_copy(tailq_hbm.at[f, d8 + p, :, :], tail_v)

            bscalar = jnp.sum(jnp.where(lane == j * 8 + p, bv16, 0.0))
            bvec = jnp.full((16,), bscalar, dtype=jnp.float32)

            for k in range(2):
                vb = 0 if k == 0 else VC0
                vl = VC0 if k == 0 else VC1
                pltpu.sync_copy(stage_s.at[p, pl.ds(vb, vl)],
                                plane_v.at[pl.ds(0, vl)])
                if k == 1:
                    plane_v[pl.ds(VC1, 16)] = tail_v[0, pl.ds(0, 16)]
                    plane_v[pl.ds(VC1 + 16, 16)] = tail_v[0, pl.ds(16, 16)]

                def gather_blk(i, carry2):
                    for u in range(UNR):
                        o = (i * UNR + u) * 16
                        iv = idx_v[pl.ds(o, 16)]
                        if k == 0:
                            mask = iv < VC0
                            loc = jnp.where(mask, iv, 0)
                            g = plsc.load_gather(plane_v, [loc], mask=mask)
                            res_v[pl.ds(o, 16)] = g + bvec
                        else:
                            mask = iv >= VC0
                            loc = jnp.where(mask, iv - VC0, 0)
                            g = plsc.load_gather(plane_v, [loc], mask=mask)
                            r0 = res_v[pl.ds(o, 16)]
                            res_v[pl.ds(o, 16)] = jnp.where(mask, g + bvec, r0)
                    return carry2

                lax.fori_loop(0, HB // (16 * UNR), gather_blk, 0)

            pltpu.sync_copy(res_v, out_s.at[p, pl.ds(h * HB, HB)])
            plsc.subcore_barrier()

            @pl.when(s == 0)
            def _():
                pltpu.sync_copy(out_s, out_hbm.at[f, pl.ds(d8, 8), :])
            return carryj

        lax.fori_loop(0, 2, group_body, 0)
        return carry

    lax.fori_loop(0, N_FIELDS, field_body, 0)


def kernel(x, tables, bias):
    xq = jnp.zeros((N_FIELDS, 8, HB), jnp.int32).at[:, :2, :].set(
        x.T.reshape(N_FIELDS, 2, HB))
    biasq = jnp.zeros((N_FIELDS, 8, D), jnp.float32).at[:, 0, :].set(bias)
    tt = tables.transpose(0, 2, 1)
    tail = lax.slice(tt, (0, 0, TB), (N_FIELDS, D, VOCAB))
    tailq = jnp.zeros((N_FIELDS, D, 8, TL), jnp.float32).at[:, :, 0, :].set(tail)
    out_t = _emb_lookup(xq, tt, tailq, biasq)
    return out_t.transpose(2, 0, 1)

# --- scband reference (transcript-rebuilt; emitter-appended) ---
"""Pipeline reference for scband-categorical-embeddings-4148938408567 (READ-ONLY COPY).

The authoritative reference and input builder live on the scoring server;
editing this copy changes nothing except your own understanding.
"""

import jax, jax.numpy as jnp
import numpy as np

N_FIELDS = 26
VOCAB = 100000
D = 32
B = 16384


def setup_inputs(seed: int = 0) -> dict:
    key = jax.random.key(seed)
    kx, kt, kb = jax.random.split(key, 3)
    x = jax.random.randint(kx, (B, N_FIELDS), 0, VOCAB, dtype=jnp.int32)
    d_rsqrt = D ** (-0.5)
    # stacked embedding tables: one [VOCAB, D] table per categorical field
    tables = jax.random.uniform(kt, (N_FIELDS, VOCAB, D), dtype=jnp.float32,
                                minval=-d_rsqrt, maxval=d_rsqrt)
    bias = jax.random.uniform(kb, (N_FIELDS, D), dtype=jnp.float32,
                              minval=-d_rsqrt, maxval=d_rsqrt)
    return {"x": x, "tables": tables, "bias": bias}


def reference(x, tables, bias):
    # per-field embedding lookup: out[b, f, :] = tables[f, x[b, f], :]
    farr = jnp.arange(N_FIELDS)[None, :]  # [1, F]
    out = tables[farr, x]                 # gather -> [B, F, D]
    out = out + bias                      # broadcast bias over batch
    return out

if __name__ == "__main__":
    import jax
    _d = setup_inputs()
    print(jax.jit(kernel)(*tuple(_d.values())))

</pallas_src>

<mosaic_0001>
#map = affine_map<(d0, d1) -> (0, 0, 0)>
#map1 = affine_map<(d0, d1) -> (0, 0, 0, 0)>
module attributes {stable_mosaic.version = 14 : i64} {
  func.func @_emb_lookup(%arg0: i32, %arg1: i32, %arg2: memref<26x8x8192xi32, #tpu.memory_space<hbm>>, %arg3: memref<26x32x100000xf32, #tpu.memory_space<hbm>>, %arg4: memref<26x32x8x32xf32, #tpu.memory_space<hbm>>, %arg5: memref<26x8x32xf32, #tpu.memory_space<hbm>>, %arg6: memref<26x32x16384xf32, #tpu.memory_space<hbm>>, %arg7: memref<8x100000xf32, #tpu.memory_space<vmem_shared>>, %arg8: memref<8x16384xf32, #tpu.memory_space<vmem_shared>>, %arg9: memref<50048xf32, #tpu.memory_space<vmem>>, %arg10: memref<8x32xf32, #tpu.memory_space<vmem>>, %arg11: memref<8192xi32, #tpu.memory_space<vmem>>, %arg12: memref<8192xf32, #tpu.memory_space<vmem>>, %arg13: memref<32xf32, #tpu.memory_space<vmem>>) attributes {dimension_semantics = [#tpu.dimension_semantics<core_parallel>, #tpu.dimension_semantics<subcore_parallel>], iteration_bounds = array<i64: 2, 16>, scalar_prefetch = 0 : i64, scratch_operands = 7 : i64, tpu.core_type = #tpu.core_type<sc_vector_subcore>, window_params = [{transform_indices = #map}, {transform_indices = #map}, {transform_indices = #map1}, {transform_indices = #map}, {transform_indices = #map}]} {
    %jit3A = arith.constant 8 : i32
    %eq3A = arith.constant 0 : i32
    %eq3A_0 = arith.cmpi eq, %jit3A, %eq3A : i32
    %jit3A_1 = arith.constant 1 : i32
    %select_n3A = arith.select %eq3A_0, %jit3A_1, %jit3A : i32
    %rem3A = arith.remsi %arg1, %select_n3A : i32
    %ne3A = arith.constant 0 : i32
    %ne3A_2 = arith.cmpi ne, %rem3A, %ne3A : i32
    %lt3A = arith.constant 0 : i32
    %lt3A_3 = arith.cmpi slt, %rem3A, %lt3A : i32
    %lt3A_4 = arith.constant 0 : i32
    %lt3A_5 = arith.cmpi slt, %select_n3A, %lt3A_4 : i32
    %ne3A_6 = arith.xori %lt3A_3, %lt3A_5 : i1
    %and3A = arith.andi %ne3A_6, %ne3A_2 : i1
    %add3A = arith.addi %rem3A, %select_n3A : i32
    %select_n3A_7 = arith.select %and3A, %add3A, %rem3A : i32
    %jit3A_8 = arith.constant 8 : i32
    %div3A = arith.divsi %arg1, %jit3A_8 : i32
    %sign3A = arith.constant 0 : i32
    %sign3A_9 = arith.cmpi sgt, %arg1, %sign3A : i32
    %sign3A_10 = arith.extui %sign3A_9 : i1 to i32
    %sign3A_11 = arith.constant 0 : i32
    %sign3A_12 = arith.cmpi slt, %arg1, %sign3A_11 : i32
    %sign3A_13 = arith.extui %sign3A_12 : i1 to i32
    %sign3A_14 = arith.subi %sign3A_10, %sign3A_13 : i32
    %sign3A_15 = arith.constant 0 : i32
    %sign3A_16 = arith.cmpi sgt, %jit3A_8, %sign3A_15 : i32
    %sign3A_17 = arith.extui %sign3A_16 : i1 to i32
    %sign3A_18 = arith.constant 0 : i32
    %sign3A_19 = arith.cmpi slt, %jit3A_8, %sign3A_18 : i32
    %sign3A_20 = arith.extui %sign3A_19 : i1 to i32
    %sign3A_21 = arith.subi %sign3A_17, %sign3A_20 : i32
    %ne3A_22 = arith.cmpi ne, %sign3A_14, %sign3A_21 : i32
    %rem3A_23 = arith.remsi %arg1, %jit3A_8 : i32
    %ne3A_24 = arith.constant 0 : i32
    %ne3A_25 = arith.cmpi ne, %rem3A_23, %ne3A_24 : i32
    %and3A_26 = arith.andi %ne3A_22, %ne3A_25 : i1
    %sub3A = arith.constant 1 : i32
    %sub3A_27 = arith.subi %div3A, %sub3A : i32
    %select_n3A_28 = arith.select %and3A_26, %sub3A_27, %div3A : i32
    %mul3A = arith.constant 16 : i32
    %mul3A_29 = arith.muli %arg0, %mul3A : i32
    %multiple_of3A = tpu.assume_multiple %mul3A_29, 16 : i32
    %iota3A = tpu.iota {dimensions = array<i32: 0>} : vector<16xi32>
    %scan3A = arith.constant 0 : i32
    %scan3A_30 = arith.constant 0 : i32
    %scan3A_31 = arith.constant 26 : i32
    %scan3A_32 = arith.addi %scan3A_30, %scan3A_31 : i32
    %scan3A_33 = arith.constant 1 : i32
    scf.for %scan3A_35 = %scan3A_30 to %scan3A_32 step %scan3A_33  : i32 {
      "tpu.region"() ({
        %run_scoped3A_59 = tpu.sem_alloc : memref<!tpu.dma_semaphore, #tpu.memory_space<semaphore_mem>>
        %dma_start3A = arith.constant 0 : i32
        %dma_start3A_60 = tpu.memref_slice %arg2[%scan3A_35, %select_n3A_28, %dma_start3A] : memref<26x8x8192xi32, #tpu.memory_space<hbm>> -> memref<1x1x8192xi32, #tpu.memory_space<hbm>>
        %dma_start3A_61 = tpu.memref_squeeze %dma_start3A_60 : memref<1x1x8192xi32, #tpu.memory_space<hbm>> -> memref<8192xi32, #tpu.memory_space<hbm>>
        %dma_start3A_62 = arith.constant 0 : i32
        %dma_start3A_63 = tpu.memref_slice %arg2[%scan3A_35, %select_n3A_28, %dma_start3A_62] : memref<26x8x8192xi32, #tpu.memory_space<hbm>> -> memref<1x1x8192xi32, #tpu.memory_space<hbm>>
        %dma_start3A_64 = tpu.memref_squeeze %dma_start3A_63 : memref<1x1x8192xi32, #tpu.memory_space<hbm>> -> memref<8192xi32, #tpu.memory_space<hbm>>
        tpu.enqueue_dma source(%dma_start3A_64 : memref<8192xi32, #tpu.memory_space<hbm>>) target(%arg11 : memref<8192xi32, #tpu.memory_space<vmem>>) target_semaphore(%run_scoped3A_59 : memref<!tpu.dma_semaphore, #tpu.memory_space<semaphore_mem>>)
        %dma_wait3A = arith.constant 0 : i32
        %dma_wait3A_65 = tpu.memref_slice %arg2[%scan3A_35, %select_n3A_28, %dma_wait3A] : memref<26x8x8192xi32, #tpu.memory_space<hbm>> -> memref<1x1x8192xi32, #tpu.memory_space<hbm>>
        %dma_wait3A_66 = tpu.memref_squeeze %dma_wait3A_65 : memref<1x1x8192xi32, #tpu.memory_space<hbm>> -> memref<8192xi32, #tpu.memory_space<hbm>>
        %dma_wait3A_67 = arith.constant 0 : i32
        %dma_wait3A_68 = tpu.memref_slice %arg2[%scan3A_35, %select_n3A_28, %dma_wait3A_67] : memref<26x8x8192xi32, #tpu.memory_space<hbm>> -> memref<1x1x8192xi32, #tpu.memory_space<hbm>>
        %dma_wait3A_69 = tpu.memref_squeeze %dma_wait3A_68 : memref<1x1x8192xi32, #tpu.memory_space<hbm>> -> memref<8192xi32, #tpu.memory_space<hbm>>
        tpu.wait_dma2 semaphore(%run_scoped3A_59 : memref<!tpu.dma_semaphore, #tpu.memory_space<semaphore_mem>>) src(%dma_wait3A_69 : memref<8192xi32, #tpu.memory_space<hbm>>) dst(%arg11 : memref<8192xi32, #tpu.memory_space<vmem>>)
        tpu.yield
      }) : () -> ()
      %run_scoped3A = arith.constant 0 : i32
      "tpu.region"() ({
        %run_scoped3A_59 = tpu.sem_alloc : memref<!tpu.dma_semaphore, #tpu.memory_space<semaphore_mem>>
        %dma_start3A = arith.constant 0 : i32
        %dma_start3A_60 = tpu.memref_slice %arg5[%scan3A_35, %run_scoped3A, %dma_start3A] : memref<26x8x32xf32, #tpu.memory_space<hbm>> -> memref<1x1x32xf32, #tpu.memory_space<hbm>>
        %dma_start3A_61 = tpu.memref_squeeze %dma_start3A_60 : memref<1x1x32xf32, #tpu.memory_space<hbm>> -> memref<32xf32, #tpu.memory_space<hbm>>
        %dma_start3A_62 = arith.constant 0 : i32
        %dma_start3A_63 = tpu.memref_slice %arg5[%scan3A_35, %run_scoped3A, %dma_start3A_62] : memref<26x8x32xf32, #tpu.memory_space<hbm>> -> memref<1x1x32xf32, #tpu.memory_space<hbm>>
        %dma_start3A_64 = tpu.memref_squeeze %dma_start3A_63 : memref<1x1x32xf32, #tpu.memory_space<hbm>> -> memref<32xf32, #tpu.memory_space<hbm>>
        tpu.enqueue_dma source(%dma_start3A_64 : memref<32xf32, #tpu.memory_space<hbm>>) target(%arg13 : memref<32xf32, #tpu.memory_space<vmem>>) target_semaphore(%run_scoped3A_59 : memref<!tpu.dma_semaphore, #tpu.memory_space<semaphore_mem>>)
        %dma_wait3A = arith.constant 0 : i32
        %dma_wait3A_65 = tpu.memref_slice %arg5[%scan3A_35, %run_scoped3A, %dma_wait3A] : memref<26x8x32xf32, #tpu.memory_space<hbm>> -> memref<1x1x32xf32, #tpu.memory_space<hbm>>
        %dma_wait3A_66 = tpu.memref_squeeze %dma_wait3A_65 : memref<1x1x32xf32, #tpu.memory_space<hbm>> -> memref<32xf32, #tpu.memory_space<hbm>>
        %dma_wait3A_67 = arith.constant 0 : i32
        %dma_wait3A_68 = tpu.memref_slice %arg5[%scan3A_35, %run_scoped3A, %dma_wait3A_67] : memref<26x8x32xf32, #tpu.memory_space<hbm>> -> memref<1x1x32xf32, #tpu.memory_space<hbm>>
        %dma_wait3A_69 = tpu.memref_squeeze %dma_wait3A_68 : memref<1x1x32xf32, #tpu.memory_space<hbm>> -> memref<32xf32, #tpu.memory_space<hbm>>
        tpu.wait_dma2 semaphore(%run_scoped3A_59 : memref<!tpu.dma_semaphore, #tpu.memory_space<semaphore_mem>>) src(%dma_wait3A_69 : memref<32xf32, #tpu.memory_space<hbm>>) dst(%arg13 : memref<32xf32, #tpu.memory_space<vmem>>)
        tpu.yield
      }) : () -> ()
      %jit3A_36 = arith.constant 32 : i32
      %eq3A_37 = arith.constant 0 : i32
      %eq3A_38 = arith.cmpi eq, %jit3A_36, %eq3A_37 : i32
      %jit3A_39 = arith.constant 1 : i32
      %select_n3A_40 = arith.select %eq3A_38, %jit3A_39, %jit3A_36 : i32
      %rem3A_41 = arith.remsi %multiple_of3A, %select_n3A_40 : i32
      %ne3A_42 = arith.constant 0 : i32
      %ne3A_43 = arith.cmpi ne, %rem3A_41, %ne3A_42 : i32
      %lt3A_44 = arith.constant 0 : i32
      %lt3A_45 = arith.cmpi slt, %rem3A_41, %lt3A_44 : i32
      %lt3A_46 = arith.constant 0 : i32
      %lt3A_47 = arith.cmpi slt, %select_n3A_40, %lt3A_46 : i32
      %ne3A_48 = arith.xori %lt3A_45, %lt3A_47 : i1
      %and3A_49 = arith.andi %ne3A_48, %ne3A_43 : i1
      %add3A_50 = arith.addi %rem3A_41, %select_n3A_40 : i32
      %select_n3A_51 = arith.select %and3A_49, %add3A_50, %rem3A_41 : i32
      %get3A = arith.index_cast %select_n3A_51 : i32 to index
      %get3A_52 = tpu.vector_load %arg13[%get3A] {strides = array<i32>} : memref<32xf32, #tpu.memory_space<vmem>>, vector<16xf32>,
      %scan3A_53 = arith.constant 0 : i32
      %scan3A_54 = arith.constant 0 : i32
      %scan3A_55 = arith.constant 2 : i32
      %scan3A_56 = arith.addi %scan3A_54, %scan3A_55 : i32
      %scan3A_57 = arith.constant 1 : i32
      scf.for %scan3A_59 = %scan3A_54 to %scan3A_56 step %scan3A_57  : i32 {
        %mul3A_60 = arith.constant 16 : i32
        %mul3A_61 = arith.muli %arg0, %mul3A_60 : i32
        %mul3A_62 = arith.constant 8 : i32
        %mul3A_63 = arith.muli %scan3A_59, %mul3A_62 : i32
        %add3A_64 = arith.addi %mul3A_61, %mul3A_63 : i32
        %multiple_of3A_65 = tpu.assume_multiple %add3A_64, 8 : i32
        %eq3A_66 = arith.constant 0 : i32
        %eq3A_67 = arith.cmpi eq, %arg1, %eq3A_66 : i32
        %convert_element_type3A = arith.extui %eq3A_67 : i1 to i32
        %cond3A = arith.constant 0 : i32
        %cond3A_68 = arith.cmpi ne, %convert_element_type3A, %cond3A : i32
        scf.if %cond3A_68 {
          "tpu.region"() ({
            %run_scoped3A_112 = tpu.sem_alloc : memref<!tpu.dma_semaphore, #tpu.memory_space<semaphore_mem>>
            %dma_start3A = arith.constant 0 : i32
            %dma_start3A_113 = tpu.memref_slice %arg3[%scan3A_35, %multiple_of3A_65, %dma_start3A] : memref<26x32x100000xf32, #tpu.memory_space<hbm>> -> memref<1x8x100000xf32, #tpu.memory_space<hbm>>
            %dma_start3A_114 = tpu.memref_squeeze %dma_start3A_113 : memref<1x8x100000xf32, #tpu.memory_space<hbm>> -> memref<8x100000xf32, #tpu.memory_space<hbm>>
            tpu.enqueue_dma source(%dma_start3A_114 : memref<8x100000xf32, #tpu.memory_space<hbm>>) target(%arg7 : memref<8x100000xf32, #tpu.memory_space<vmem_shared>>) target_semaphore(%run_scoped3A_112 : memref<!tpu.dma_semaphore, #tpu.memory_space<semaphore_mem>>)
            %dma_wait3A = arith.constant 0 : i32
            %dma_wait3A_115 = tpu.memref_slice %arg3[%scan3A_35, %multiple_of3A_65, %dma_wait3A] : memref<26x32x100000xf32, #tpu.memory_space<hbm>> -> memref<1x8x100000xf32, #tpu.memory_space<hbm>>
            %dma_wait3A_116 = tpu.memref_squeeze %dma_wait3A_115 : memref<1x8x100000xf32, #tpu.memory_space<hbm>> -> memref<8x100000xf32, #tpu.memory_space<hbm>>
            tpu.wait_dma2 semaphore(%run_scoped3A_112 : memref<!tpu.dma_semaphore, #tpu.memory_space<semaphore_mem>>) src(%dma_wait3A_116 : memref<8x100000xf32, #tpu.memory_space<hbm>>) dst(%arg7 : memref<8x100000xf32, #tpu.memory_space<vmem_shared>>)
            tpu.yield
          }) : () -> ()
        } else {
        }
        %barrier3A = arith.constant 0 : index
        tpu.barrier barrier_id(%barrier3A)
        %add3A_69 = arith.addi %multiple_of3A_65, %select_n3A_7 : i32
        "tpu.region"() ({
          %run_scoped3A_112 = tpu.sem_alloc : memref<!tpu.dma_semaphore, #tpu.memory_space<semaphore_mem>>
          %dma_start3A = arith.constant 0 : i32
          %dma_start3A_113 = arith.constant 0 : i32
          %dma_start3A_114 = tpu.memref_slice %arg4[%scan3A_35, %add3A_69, %dma_start3A, %dma_start3A_113] : memref<26x32x8x32xf32, #tpu.memory_space<hbm>> -> memref<1x1x8x32xf32, #tpu.memory_space<hbm>>
          %dma_start3A_115 = tpu.memref_squeeze %dma_start3A_114 : memref<1x1x8x32xf32, #tpu.memory_space<hbm>> -> memref<8x32xf32, #tpu.memory_space<hbm>>
          %dma_start3A_116 = arith.constant 0 : i32
          %dma_start3A_117 = arith.constant 0 : i32
          %dma_start3A_118 = tpu.memref_slice %arg4[%scan3A_35, %add3A_69, %dma_start3A_116, %dma_start3A_117] : memref<26x32x8x32xf32, #tpu.memory_space<hbm>> -> memref<1x1x8x32xf32, #tpu.memory_space<hbm>>
          %dma_start3A_119 = tpu.memref_squeeze %dma_start3A_118 : memref<1x1x8x32xf32, #tpu.memory_space<hbm>> -> memref<8x32xf32, #tpu.memory_space<hbm>>
          tpu.enqueue_dma source(%dma_start3A_119 : memref<8x32xf32, #tpu.memory_space<hbm>>) target(%arg10 : memref<8x32xf32, #tpu.memory_space<vmem>>) target_semaphore(%run_scoped3A_112 : memref<!tpu.dma_semaphore, #tpu.memory_space<semaphore_mem>>)
          %dma_wait3A = arith.constant 0 : i32
          %dma_wait3A_120 = arith.constant 0 : i32
          %dma_wait3A_121 = tpu.memref_slice %arg4[%scan3A_35, %add3A_69, %dma_wait3A, %dma_wait3A_120] : memref<26x32x8x32xf32, #tpu.memory_space<hbm>> -> memref<1x1x8x32xf32, #tpu.memory_space<hbm>>
          %dma_wait3A_122 = tpu.memref_squeeze %dma_wait3A_121 : memref<1x1x8x32xf32, #tpu.memory_space<hbm>> -> memref<8x32xf32, #tpu.memory_space<hbm>>
          %dma_wait3A_123 = arith.constant 0 : i32
          %dma_wait3A_124 = arith.constant 0 : i32
          %dma_wait3A_125 = tpu.memref_slice %arg4[%scan3A_35, %add3A_69, %dma_wait3A_123, %dma_wait3A_124] : memref<26x32x8x32xf32, #tpu.memory_space<hbm>> -> memref<1x1x8x32xf32, #tpu.memory_space<hbm>>
          %dma_wait3A_126 = tpu.memref_squeeze %dma_wait3A_125 : memref<1x1x8x32xf32, #tpu.memory_space<hbm>> -> memref<8x32xf32, #tpu.memory_space<hbm>>
          tpu.wait_dma2 semaphore(%run_scoped3A_112 : memref<!tpu.dma_semaphore, #tpu.memory_space<semaphore_mem>>) src(%dma_wait3A_126 : memref<8x32xf32, #tpu.memory_space<hbm>>) dst(%arg10 : memref<8x32xf32, #tpu.memory_space<vmem>>)
          tpu.yield
        }) : () -> ()
        %mul3A_70 = arith.constant 8 : i32
        %mul3A_71 = arith.muli %scan3A_59, %mul3A_70 : i32
        %add3A_72 = arith.addi %mul3A_71, %select_n3A_7 : i32
        %eq3A_73 = vector.broadcast %add3A_72 : i32 to vector<16xi32>
        %eq3A_74 = arith.cmpi eq, %iota3A, %eq3A_73 : vector<16xi32>
        %jit3A_75 = arith.constant 0.000000e+00 : f32
        %broadcast_in_dim3A = vector.broadcast %jit3A_75 : f32 to vector<16xf32>
        %select_n3A_76 = arith.select %eq3A_74, %get3A_52, %broadcast_in_dim3A : vector<16xi1>, vector<16xf32>
        %reduce_sum3A = arith.constant true
        %reduce_sum3A_77 = vector.broadcast %reduce_sum3A : i1 to vector<16xi1>
        %reduce_sum3A_78 = tpu.scan <sum>, %select_n3A_76 masked %reduce_sum3A_77 : vector<16xf32>, vector<16xi1> -> vector<16xf32>
        %reduce_sum3A_79 = vector.extract %reduce_sum3A_78[15] : f32 from vector<16xf32>
        %broadcast_in_dim3A_80 = vector.broadcast %reduce_sum3A_79 : f32 to vector<16xf32>
        "tpu.region"() ({
          %run_scoped3A_112 = tpu.sem_alloc : memref<!tpu.dma_semaphore, #tpu.memory_space<semaphore_mem>>
          %dma_start3A = arith.constant 0 : i32
          %dma_start3A_113 = tpu.memref_slice %arg9[%dma_start3A] : memref<50048xf32, #tpu.memory_space<vmem>> -> memref<50048xf32, #tpu.memory_space<vmem>>
          %dma_start3A_114 = arith.constant 0 : i32
          %dma_start3A_115 = tpu.memref_slice %arg7[%select_n3A_7, %dma_start3A_114] : memref<8x100000xf32, #tpu.memory_space<vmem_shared>> -> memref<1x50048xf32, #tpu.memory_space<vmem_shared>>
          %dma_start3A_116 = tpu.memref_squeeze %dma_start3A_115 : memref<1x50048xf32, #tpu.memory_space<vmem_shared>> -> memref<50048xf32, #tpu.memory_space<vmem_shared>>
          %dma_start3A_117 = arith.constant 0 : i32
          %dma_start3A_118 = tpu.memref_slice %arg9[%dma_start3A_117] : memref<50048xf32, #tpu.memory_space<vmem>> -> memref<50048xf32, #tpu.memory_space<vmem>>
          %dma_start3A_119 = arith.constant 0 : i32
          %dma_start3A_120 = tpu.memref_slice %arg7[%select_n3A_7, %dma_start3A_119] : memref<8x100000xf32, #tpu.memory_space<vmem_shared>> -> memref<1x50048xf32, #tpu.memory_space<vmem_shared>>
          %dma_start3A_121 = tpu.memref_squeeze %dma_start3A_120 : memref<1x50048xf32, #tpu.memory_space<vmem_shared>> -> memref<50048xf32, #tpu.memory_space<vmem_shared>>
          tpu.enqueue_dma source(%dma_start3A_121 : memref<50048xf32, #tpu.memory_space<vmem_shared>>) target(%dma_start3A_118 : memref<50048xf32, #tpu.memory_space<vmem>>) target_semaphore(%run_scoped3A_112 : memref<!tpu.dma_semaphore, #tpu.memory_space<semaphore_mem>>)
          %dma_wait3A = arith.constant 0 : i32
          %dma_wait3A_122 = tpu.memref_slice %arg9[%dma_wait3A] : memref<50048xf32, #tpu.memory_space<vmem>> -> memref<50048xf32, #tpu.memory_space<vmem>>
          %dma_wait3A_123 = arith.constant 0 : i32
          %dma_wait3A_124 = tpu.memref_slice %arg7[%select_n3A_7, %dma_wait3A_123] : memref<8x100000xf32, #tpu.memory_space<vmem_shared>> -> memref<1x50048xf32, #tpu.memory_space<vmem_shared>>
          %dma_wait3A_125 = tpu.memref_squeeze %dma_wait3A_124 : memref<1x50048xf32, #tpu.memory_space<vmem_shared>> -> memref<50048xf32, #tpu.memory_space<vmem_shared>>
          %dma_wait3A_126 = arith.constant 0 : i32
          %dma_wait3A_127 = tpu.memref_slice %arg9[%dma_wait3A_126] : memref<50048xf32, #tpu.memory_space<vmem>> -> memref<50048xf32, #tpu.memory_space<vmem>>
          %dma_wait3A_128 = arith.constant 0 : i32
          %dma_wait3A_129 = tpu.memref_slice %arg7[%select_n3A_7, %dma_wait3A_128] : memref<8x100000xf32, #tpu.memory_space<vmem_shared>> -> memref<1x50048xf32, #tpu.memory_space<vmem_shared>>
          %dma_wait3A_130 = tpu.memref_squeeze %dma_wait3A_129 : memref<1x50048xf32, #tpu.memory_space<vmem_shared>> -> memref<50048xf32, #tpu.memory_space<vmem_shared>>
          tpu.wait_dma2 semaphore(%run_scoped3A_112 : memref<!tpu.dma_semaphore, #tpu.memory_space<semaphore_mem>>) src(%dma_wait3A_130 : memref<50048xf32, #tpu.memory_space<vmem_shared>>) dst(%dma_wait3A_127 : memref<50048xf32, #tpu.memory_space<vmem>>)
          tpu.yield
        }) : () -> ()
        %scan3A_81 = arith.constant 0 : i32
        %scan3A_82 = arith.constant 0 : i32
        %scan3A_83 = arith.constant 64 : i32
        %scan3A_84 = arith.addi %scan3A_82, %scan3A_83 : i32
        %scan3A_85 = arith.constant 1 : i32
        scf.for %scan3A_112 = %scan3A_82 to %scan3A_84 step %scan3A_85  : i32 {
          %mul3A_113 = arith.constant 8 : i32
          %mul3A_114 = arith.muli %scan3A_112, %mul3A_113 : i32
          %add3A_115 = arith.constant 0 : i32
          %add3A_116 = arith.addi %mul3A_114, %add3A_115 : i32
          %mul3A_117 = arith.constant 16 : i32
          %mul3A_118 = arith.muli %add3A_116, %mul3A_117 : i32
          %get3A_119 = arith.index_cast %mul3A_118 : i32 to index
          %get3A_120 = tpu.vector_load %arg11[%get3A_119] {strides = array<i32>} : memref<8192xi32, #tpu.memory_space<vmem>>, vector<16xi32>,
          %lt3A_121 = arith.constant 50048 : i32
          %lt3A_122 = vector.broadcast %lt3A_121 : i32 to vector<16xi32>
          %lt3A_123 = arith.cmpi slt, %get3A_120, %lt3A_122 : vector<16xi32>
          %jit3A_124 = arith.constant 0 : i32
          %broadcast_in_dim3A_125 = vector.broadcast %jit3A_124 : i32 to vector<16xi32>
          %select_n3A_126 = arith.select %lt3A_123, %get3A_120, %broadcast_in_dim3A_125 : vector<16xi1>, vector<16xi32>
          %gather3A = tpu.vector_load_idx %arg9[%select_n3A_126] masked %lt3A_123 : memref<50048xf32, #tpu.memory_space<vmem>>[vector<16xi32>], vector<16xf32>, vector<16xi1>
          %add3A_127 = arith.addf %gather3A, %broadcast_in_dim3A_80 : vector<16xf32>
          %swap3A_128 = arith.index_cast %mul3A_118 : i32 to index
          %swap3A_129 = tpu.vector_load %arg12[%swap3A_128] {strides = array<i32>} : memref<8192xf32, #tpu.memory_space<vmem>>, vector<16xf32>,
          tpu.vector_store %arg12[%swap3A_128], %add3A_127 {strides = array<i32>} : memref<8192xf32, #tpu.memory_space<vmem>>, vector<16xf32>,
          %mul3A_130 = arith.constant 8 : i32
          %mul3A_131 = arith.muli %scan3A_112, %mul3A_130 : i32
          %add3A_132 = arith.constant 1 : i32
          %add3A_133 = arith.addi %mul3A_131, %add3A_132 : i32
          %mul3A_134 = arith.constant 16 : i32
          %mul3A_135 = arith.muli %add3A_133, %mul3A_134 : i32
          %get3A_136 = arith.index_cast %mul3A_135 : i32 to index
          %get3A_137 = tpu.vector_load %arg11[%get3A_136] {strides = array<i32>} : memref<8192xi32, #tpu.memory_space<vmem>>, vector<16xi32>,
          %lt3A_138 = arith.constant 50048 : i32
          %lt3A_139 = vector.broadcast %lt3A_138 : i32 to vector<16xi32>
          %lt3A_140 = arith.cmpi slt, %get3A_137, %lt3A_139 : vector<16xi32>
          %jit3A_141 = arith.constant 0 : i32
          %broadcast_in_dim3A_142 = vector.broadcast %jit3A_141 : i32 to vector<16xi32>
          %select_n3A_143 = arith.select %lt3A_140, %get3A_137, %broadcast_in_dim3A_142 : vector<16xi1>, vector<16xi32>
          %gather3A_144 = tpu.vector_load_idx %arg9[%select_n3A_143] masked %lt3A_140 : memref<50048xf32, #tpu.memory_space<vmem>>[vector<16xi32>], vector<16xf32>, vector<16xi1>
          %add3A_145 = arith.addf %gather3A_144, %broadcast_in_dim3A_80 : vector<16xf32>
          %swap3A_146 = arith.index_cast %mul3A_135 : i32 to index
          %swap3A_147 = tpu.vector_load %arg12[%swap3A_146] {strides = array<i32>} : memref<8192xf32, #tpu.memory_space<vmem>>, vector<16xf32>,
          tpu.vector_store %arg12[%swap3A_146], %add3A_145 {strides = array<i32>} : memref<8192xf32, #tpu.memory_space<vmem>>, vector<16xf32>,
          %mul3A_148 = arith.constant 8 : i32
          %mul3A_149 = arith.muli %scan3A_112, %mul3A_148 : i32
          %add3A_150 = arith.constant 2 : i32
          %add3A_151 = arith.addi %mul3A_149, %add3A_150 : i32
          %mul3A_152 = arith.constant 16 : i32
          %mul3A_153 = arith.muli %add3A_151, %mul3A_152 : i32
          %get3A_154 = arith.index_cast %mul3A_153 : i32 to index
          %get3A_155 = tpu.vector_load %arg11[%get3A_154] {strides = array<i32>} : memref<8192xi32, #tpu.memory_space<vmem>>, vector<16xi32>,
          %lt3A_156 = arith.constant 50048 : i32
          %lt3A_157 = vector.broadcast %lt3A_156 : i32 to vector<16xi32>
          %lt3A_158 = arith.cmpi slt, %get3A_155, %lt3A_157 : vector<16xi32>
          %jit3A_159 = arith.constant 0 : i32
          %broadcast_in_dim3A_160 = vector.broadcast %jit3A_159 : i32 to vector<16xi32>
          %select_n3A_161 = arith.select %lt3A_158, %get3A_155, %broadcast_in_dim3A_160 : vector<16xi1>, vector<16xi32>
          %gather3A_162 = tpu.vector_load_idx %arg9[%select_n3A_161] masked %lt3A_158 : memref<50048xf32, #tpu.memory_space<vmem>>[vector<16xi32>], vector<16xf32>, vector<16xi1>
          %add3A_163 = arith.addf %gather3A_162, %broadcast_in_dim3A_80 : vector<16xf32>
          %swap3A_164 = arith.index_cast %mul3A_153 : i32 to index
          %swap3A_165 = tpu.vector_load %arg12[%swap3A_164] {strides = array<i32>} : memref<8192xf32, #tpu.memory_space<vmem>>, vector<16xf32>,
          tpu.vector_store %arg12[%swap3A_164], %add3A_163 {strides = array<i32>} : memref<8192xf32, #tpu.memory_space<vmem>>, vector<16xf32>,
          %mul3A_166 = arith.constant 8 : i32
          %mul3A_167 = arith.muli %scan3A_112, %mul3A_166 : i32
          %add3A_168 = arith.constant 3 : i32
          %add3A_169 = arith.addi %mul3A_167, %add3A_168 : i32
          %mul3A_170 = arith.constant 16 : i32
          %mul3A_171 = arith.muli %add3A_169, %mul3A_170 : i32
          %get3A_172 = arith.index_cast %mul3A_171 : i32 to index
          %get3A_173 = tpu.vector_load %arg11[%get3A_172] {strides = array<i32>} : memref<8192xi32, #tpu.memory_space<vmem>>, vector<16xi32>,
          %lt3A_174 = arith.constant 50048 : i32
          %lt3A_175 = vector.broadcast %lt3A_174 : i32 to vector<16xi32>
          %lt3A_176 = arith.cmpi slt, %get3A_173, %lt3A_175 : vector<16xi32>
          %jit3A_177 = arith.constant 0 : i32
          %broadcast_in_dim3A_178 = vector.broadcast %jit3A_177 : i32 to vector<16xi32>
          %select_n3A_179 = arith.select %lt3A_176, %get3A_173, %broadcast_in_dim3A_178 : vector<16xi1>, vector<16xi32>
          %gather3A_180 = tpu.vector_load_idx %arg9[%select_n3A_179] masked %lt3A_176 : memref<50048xf32, #tpu.memory_space<vmem>>[vector<16xi32>], vector<16xf32>, vector<16xi1>
          %add3A_181 = arith.addf %gather3A_180, %broadcast_in_dim3A_80 : vector<16xf32>
          %swap3A_182 = arith.index_cast %mul3A_171 : i32 to index
          %swap3A_183 = tpu.vector_load %arg12[%swap3A_182] {strides = array<i32>} : memref<8192xf32, #tpu.memory_space<vmem>>, vector<16xf32>,
          tpu.vector_store %arg12[%swap3A_182], %add3A_181 {strides = array<i32>} : memref<8192xf32, #tpu.memory_space<vmem>>, vector<16xf32>,
          %mul3A_184 = arith.constant 8 : i32
          %mul3A_185 = arith.muli %scan3A_112, %mul3A_184 : i32
          %add3A_186 = arith.constant 4 : i32
          %add3A_187 = arith.addi %mul3A_185, %add3A_186 : i32
          %mul3A_188 = arith.constant 16 : i32
          %mul3A_189 = arith.muli %add3A_187, %mul3A_188 : i32
          %get3A_190 = arith.index_cast %mul3A_189 : i32 to index
          %get3A_191 = tpu.vector_load %arg11[%get3A_190] {strides = array<i32>} : memref<8192xi32, #tpu.memory_space<vmem>>, vector<16xi32>,
          %lt3A_192 = arith.constant 50048 : i32
          %lt3A_193 = vector.broadcast %lt3A_192 : i32 to vector<16xi32>
          %lt3A_194 = arith.cmpi slt, %get3A_191, %lt3A_193 : vector<16xi32>
          %jit3A_195 = arith.constant 0 : i32
          %broadcast_in_dim3A_196 = vector.broadcast %jit3A_195 : i32 to vector<16xi32>
          %select_n3A_197 = arith.select %lt3A_194, %get3A_191, %broadcast_in_dim3A_196 : vector<16xi1>, vector<16xi32>
          %gather3A_198 = tpu.vector_load_idx %arg9[%select_n3A_197] masked %lt3A_194 : memref<50048xf32, #tpu.memory_space<vmem>>[vector<16xi32>], vector<16xf32>, vector<16xi1>
          %add3A_199 = arith.addf %gather3A_198, %broadcast_in_dim3A_80 : vector<16xf32>
          %swap3A_200 = arith.index_cast %mul3A_189 : i32 to index
          %swap3A_201 = tpu.vector_load %arg12[%swap3A_200] {strides = array<i32>} : memref<8192xf32, #tpu.memory_space<vmem>>, vector<16xf32>,
          tpu.vector_store %arg12[%swap3A_200], %add3A_199 {strides = array<i32>} : memref<8192xf32, #tpu.memory_space<vmem>>, vector<16xf32>,
          %mul3A_202 = arith.constant 8 : i32
          %mul3A_203 = arith.muli %scan3A_112, %mul3A_202 : i32
          %add3A_204 = arith.constant 5 : i32
          %add3A_205 = arith.addi %mul3A_203, %add3A_204 : i32
          %mul3A_206 = arith.constant 16 : i32
          %mul3A_207 = arith.muli %add3A_205, %mul3A_206 : i32
          %get3A_208 = arith.index_cast %mul3A_207 : i32 to index
          %get3A_209 = tpu.vector_load %arg11[%get3A_208] {strides = array<i32>} : memref<8192xi32, #tpu.memory_space<vmem>>, vector<16xi32>,
          %lt3A_210 = arith.constant 50048 : i32
          %lt3A_211 = vector.broadcast %lt3A_210 : i32 to vector<16xi32>
          %lt3A_212 = arith.cmpi slt, %get3A_209, %lt3A_211 : vector<16xi32>
          %jit3A_213 = arith.constant 0 : i32
          %broadcast_in_dim3A_214 = vector.broadcast %jit3A_213 : i32 to vector<16xi32>
          %select_n3A_215 = arith.select %lt3A_212, %get3A_209, %broadcast_in_dim3A_214 : vector<16xi1>, vector<16xi32>
          %gather3A_216 = tpu.vector_load_idx %arg9[%select_n3A_215] masked %lt3A_212 : memref<50048xf32, #tpu.memory_space<vmem>>[vector<16xi32>], vector<16xf32>, vector<16xi1>
          %add3A_217 = arith.addf %gather3A_216, %broadcast_in_dim3A_80 : vector<16xf32>
          %swap3A_218 = arith.index_cast %mul3A_207 : i32 to index
          %swap3A_219 = tpu.vector_load %arg12[%swap3A_218] {strides = array<i32>} : memref<8192xf32, #tpu.memory_space<vmem>>, vector<16xf32>,
          tpu.vector_store %arg12[%swap3A_218], %add3A_217 {strides = array<i32>} : memref<8192xf32, #tpu.memory_space<vmem>>, vector<16xf32>,
          %mul3A_220 = arith.constant 8 : i32
          %mul3A_221 = arith.muli %scan3A_112, %mul3A_220 : i32
          %add3A_222 = arith.constant 6 : i32
          %add3A_223 = arith.addi %mul3A_221, %add3A_222 : i32
          %mul3A_224 = arith.constant 16 : i32
          %mul3A_225 = arith.muli %add3A_223, %mul3A_224 : i32
          %get3A_226 = arith.index_cast %mul3A_225 : i32 to index
          %get3A_227 = tpu.vector_load %arg11[%get3A_226] {strides = array<i32>} : memref<8192xi32, #tpu.memory_space<vmem>>, vector<16xi32>,
          %lt3A_228 = arith.constant 50048 : i32
          %lt3A_229 = vector.broadcast %lt3A_228 : i32 to vector<16xi32>
          %lt3A_230 = arith.cmpi slt, %get3A_227, %lt3A_229 : vector<16xi32>
          %jit3A_231 = arith.constant 0 : i32
          %broadcast_in_dim3A_232 = vector.broadcast %jit3A_231 : i32 to vector<16xi32>
          %select_n3A_233 = arith.select %lt3A_230, %get3A_227, %broadcast_in_dim3A_232 : vector<16xi1>, vector<16xi32>
          %gather3A_234 = tpu.vector_load_idx %arg9[%select_n3A_233] masked %lt3A_230 : memref<50048xf32, #tpu.memory_space<vmem>>[vector<16xi32>], vector<16xf32>, vector<16xi1>
          %add3A_235 = arith.addf %gather3A_234, %broadcast_in_dim3A_80 : vector<16xf32>
          %swap3A_236 = arith.index_cast %mul3A_225 : i32 to index
          %swap3A_237 = tpu.vector_load %arg12[%swap3A_236] {strides = array<i32>} : memref<8192xf32, #tpu.memory_space<vmem>>, vector<16xf32>,
          tpu.vector_store %arg12[%swap3A_236], %add3A_235 {strides = array<i32>} : memref<8192xf32, #tpu.memory_space<vmem>>, vector<16xf32>,
          %mul3A_238 = arith.constant 8 : i32
          %mul3A_239 = arith.muli %scan3A_112, %mul3A_238 : i32
          %add3A_240 = arith.constant 7 : i32
          %add3A_241 = arith.addi %mul3A_239, %add3A_240 : i32
          %mul3A_242 = arith.constant 16 : i32
          %mul3A_243 = arith.muli %add3A_241, %mul3A_242 : i32
          %get3A_244 = arith.index_cast %mul3A_243 : i32 to index
          %get3A_245 = tpu.vector_load %arg11[%get3A_244] {strides = array<i32>} : memref<8192xi32, #tpu.memory_space<vmem>>, vector<16xi32>,
          %lt3A_246 = arith.constant 50048 : i32
          %lt3A_247 = vector.broadcast %lt3A_246 : i32 to vector<16xi32>
          %lt3A_248 = arith.cmpi slt, %get3A_245, %lt3A_247 : vector<16xi32>
          %jit3A_249 = arith.constant 0 : i32
          %broadcast_in_dim3A_250 = vector.broadcast %jit3A_249 : i32 to vector<16xi32>
          %select_n3A_251 = arith.select %lt3A_248, %get3A_245, %broadcast_in_dim3A_250 : vector<16xi1>, vector<16xi32>
          %gather3A_252 = tpu.vector_load_idx %arg9[%select_n3A_251] masked %lt3A_248 : memref<50048xf32, #tpu.memory_space<vmem>>[vector<16xi32>], vector<16xf32>, vector<16xi1>
          %add3A_253 = arith.addf %gather3A_252, %broadcast_in_dim3A_80 : vector<16xf32>
          %swap3A_254 = arith.index_cast %mul3A_243 : i32 to index
          %swap3A_255 = tpu.vector_load %arg12[%swap3A_254] {strides = array<i32>} : memref<8192xf32, #tpu.memory_space<vmem>>, vector<16xf32>,
          tpu.vector_store %arg12[%swap3A_254], %add3A_253 {strides = array<i32>} : memref<8192xf32, #tpu.memory_space<vmem>>, vector<16xf32>,
        }
        %scan3A_86 = arith.constant 64 : i32
        "tpu.region"() ({
          %run_scoped3A_112 = tpu.sem_alloc : memref<!tpu.dma_semaphore, #tpu.memory_space<semaphore_mem>>
          %dma_start3A = arith.constant 0 : i32
          %dma_start3A_113 = tpu.memref_slice %arg9[%dma_start3A] : memref<50048xf32, #tpu.memory_space<vmem>> -> memref<49920xf32, #tpu.memory_space<vmem>>
          %dma_start3A_114 = arith.constant 50048 : i32
          %dma_start3A_115 = tpu.memref_slice %arg7[%select_n3A_7, %dma_start3A_114] : memref<8x100000xf32, #tpu.memory_space<vmem_shared>> -> memref<1x49920xf32, #tpu.memory_space<vmem_shared>>
          %dma_start3A_116 = tpu.memref_squeeze %dma_start3A_115 : memref<1x49920xf32, #tpu.memory_space<vmem_shared>> -> memref<49920xf32, #tpu.memory_space<vmem_shared>>
          %dma_start3A_117 = arith.constant 0 : i32
          %dma_start3A_118 = tpu.memref_slice %arg9[%dma_start3A_117] : memref<50048xf32, #tpu.memory_space<vmem>> -> memref<49920xf32, #tpu.memory_space<vmem>>
          %dma_start3A_119 = arith.constant 50048 : i32
          %dma_start3A_120 = tpu.memref_slice %arg7[%select_n3A_7, %dma_start3A_119] : memref<8x100000xf32, #tpu.memory_space<vmem_shared>> -> memref<1x49920xf32, #tpu.memory_space<vmem_shared>>
          %dma_start3A_121 = tpu.memref_squeeze %dma_start3A_120 : memref<1x49920xf32, #tpu.memory_space<vmem_shared>> -> memref<49920xf32, #tpu.memory_space<vmem_shared>>
          tpu.enqueue_dma source(%dma_start3A_121 : memref<49920xf32, #tpu.memory_space<vmem_shared>>) target(%dma_start3A_118 : memref<49920xf32, #tpu.memory_space<vmem>>) target_semaphore(%run_scoped3A_112 : memref<!tpu.dma_semaphore, #tpu.memory_space<semaphore_mem>>)
          %dma_wait3A = arith.constant 0 : i32
          %dma_wait3A_122 = tpu.memref_slice %arg9[%dma_wait3A] : memref<50048xf32, #tpu.memory_space<vmem>> -> memref<49920xf32, #tpu.memory_space<vmem>>
          %dma_wait3A_123 = arith.constant 50048 : i32
          %dma_wait3A_124 = tpu.memref_slice %arg7[%select_n3A_7, %dma_wait3A_123] : memref<8x100000xf32, #tpu.memory_space<vmem_shared>> -> memref<1x49920xf32, #tpu.memory_space<vmem_shared>>
          %dma_wait3A_125 = tpu.memref_squeeze %dma_wait3A_124 : memref<1x49920xf32, #tpu.memory_space<vmem_shared>> -> memref<49920xf32, #tpu.memory_space<vmem_shared>>
          %dma_wait3A_126 = arith.constant 0 : i32
          %dma_wait3A_127 = tpu.memref_slice %arg9[%dma_wait3A_126] : memref<50048xf32, #tpu.memory_space<vmem>> -> memref<49920xf32, #tpu.memory_space<vmem>>
          %dma_wait3A_128 = arith.constant 50048 : i32
          %dma_wait3A_129 = tpu.memref_slice %arg7[%select_n3A_7, %dma_wait3A_128] : memref<8x100000xf32, #tpu.memory_space<vmem_shared>> -> memref<1x49920xf32, #tpu.memory_space<vmem_shared>>
          %dma_wait3A_130 = tpu.memref_squeeze %dma_wait3A_129 : memref<1x49920xf32, #tpu.memory_space<vmem_shared>> -> memref<49920xf32, #tpu.memory_space<vmem_shared>>
          tpu.wait_dma2 semaphore(%run_scoped3A_112 : memref<!tpu.dma_semaphore, #tpu.memory_space<semaphore_mem>>) src(%dma_wait3A_130 : memref<49920xf32, #tpu.memory_space<vmem_shared>>) dst(%dma_wait3A_127 : memref<49920xf32, #tpu.memory_space<vmem>>)
          tpu.yield
        }) : () -> ()
        %get3A_87 = arith.constant 0 : i32
        %get3A_88 = arith.index_cast %get3A_87 : i32 to index
        %get3A_89 = arith.constant 0 : index
        %get3A_90 = tpu.vector_load %arg10[%get3A_88, %get3A_89] {strides = array<i32>} : memref<8x32xf32, #tpu.memory_space<vmem>>, vector<16xf32>,
        %swap3A = arith.constant 49920 : index
        %swap3A_91 = tpu.vector_load %arg9[%swap3A] {strides = array<i32>} : memref<50048xf32, #tpu.memory_space<vmem>>, vector<16xf32>,
        tpu.vector_store %arg9[%swap3A], %get3A_90 {strides = array<i32>} : memref<50048xf32, #tpu.memory_space<vmem>>, vector<16xf32>,
        %get3A_92 = arith.constant 0 : i32
        %get3A_93 = arith.index_cast %get3A_92 : i32 to index
        %get3A_94 = arith.constant 16 : index
        %get3A_95 = tpu.vector_load %arg10[%get3A_93, %get3A_94] {strides = array<i32>} : memref<8x32xf32, #tpu.memory_space<vmem>>, vector<16xf32>,
        %swap3A_96 = arith.constant 49936 : index
        %swap3A_97 = tpu.vector_load %arg9[%swap3A_96] {strides = array<i32>} : memref<50048xf32, #tpu.memory_space<vmem>>, vector<16xf32>,
        tpu.vector_store %arg9[%swap3A_96], %get3A_95 {strides = array<i32>} : memref<50048xf32, #tpu.memory_space<vmem>>, vector<16xf32>,
        %scan3A_98 = arith.constant 0 : i32
        %scan3A_99 = arith.constant 0 : i32
        %scan3A_100 = arith.constant 64 : i32
        %scan3A_101 = arith.addi %scan3A_99, %scan3A_100 : i32
        %scan3A_102 = arith.constant 1 : i32
        scf.for %scan3A_112 = %scan3A_99 to %scan3A_101 step %scan3A_102  : i32 {
          %mul3A_113 = arith.constant 8 : i32
          %mul3A_114 = arith.muli %scan3A_112, %mul3A_113 : i32
          %add3A_115 = arith.constant 0 : i32
          %add3A_116 = arith.addi %mul3A_114, %add3A_115 : i32
          %mul3A_117 = arith.constant 16 : i32
          %mul3A_118 = arith.muli %add3A_116, %mul3A_117 : i32
          %get3A_119 = arith.index_cast %mul3A_118 : i32 to index
          %get3A_120 = tpu.vector_load %arg11[%get3A_119] {strides = array<i32>} : memref<8192xi32, #tpu.memory_space<vmem>>, vector<16xi32>,
          %ge3A = arith.constant 50048 : i32
          %ge3A_121 = vector.broadcast %ge3A : i32 to vector<16xi32>
          %ge3A_122 = arith.cmpi sge, %get3A_120, %ge3A_121 : vector<16xi32>
          %sub3A_123 = arith.constant 50048 : i32
          %sub3A_124 = vector.broadcast %sub3A_123 : i32 to vector<16xi32>
          %sub3A_125 = arith.subi %get3A_120, %sub3A_124 : vector<16xi32>
          %jit3A_126 = arith.constant 0 : i32
          %broadcast_in_dim3A_127 = vector.broadcast %jit3A_126 : i32 to vector<16xi32>
          %select_n3A_128 = arith.select %ge3A_122, %sub3A_125, %broadcast_in_dim3A_127 : vector<16xi1>, vector<16xi32>
          %gather3A = tpu.vector_load_idx %arg9[%select_n3A_128] masked %ge3A_122 : memref<50048xf32, #tpu.memory_space<vmem>>[vector<16xi32>], vector<16xf32>, vector<16xi1>
          %get3A_129 = arith.index_cast %mul3A_118 : i32 to index
          %get3A_130 = tpu.vector_load %arg12[%get3A_129] {strides = array<i32>} : memref<8192xf32, #tpu.memory_space<vmem>>, vector<16xf32>,
          %add3A_131 = arith.addf %gather3A, %broadcast_in_dim3A_80 : vector<16xf32>
          %select_n3A_132 = arith.select %ge3A_122, %add3A_131, %get3A_130 : vector<16xi1>, vector<16xf32>
          %swap3A_133 = arith.index_cast %mul3A_118 : i32 to index
          %swap3A_134 = tpu.vector_load %arg12[%swap3A_133] {strides = array<i32>} : memref<8192xf32, #tpu.memory_space<vmem>>, vector<16xf32>,
          tpu.vector_store %arg12[%swap3A_133], %select_n3A_132 {strides = array<i32>} : memref<8192xf32, #tpu.memory_space<vmem>>, vector<16xf32>,
          %mul3A_135 = arith.constant 8 : i32
          %mul3A_136 = arith.muli %scan3A_112, %mul3A_135 : i32
          %add3A_137 = arith.constant 1 : i32
          %add3A_138 = arith.addi %mul3A_136, %add3A_137 : i32
          %mul3A_139 = arith.constant 16 : i32
          %mul3A_140 = arith.muli %add3A_138, %mul3A_139 : i32
          %get3A_141 = arith.index_cast %mul3A_140 : i32 to index
          %get3A_142 = tpu.vector_load %arg11[%get3A_141] {strides = array<i32>} : memref<8192xi32, #tpu.memory_space<vmem>>, vector<16xi32>,
          %ge3A_143 = arith.constant 50048 : i32
          %ge3A_144 = vector.broadcast %ge3A_143 : i32 to vector<16xi32>
          %ge3A_145 = arith.cmpi sge, %get3A_142, %ge3A_144 : vector<16xi32>
          %sub3A_146 = arith.constant 50048 : i32
          %sub3A_147 = vector.broadcast %sub3A_146 : i32 to vector<16xi32>
          %sub3A_148 = arith.subi %get3A_142, %sub3A_147 : vector<16xi32>
          %jit3A_149 = arith.constant 0 : i32
          %broadcast_in_dim3A_150 = vector.broadcast %jit3A_149 : i32 to vector<16xi32>
          %select_n3A_151 = arith.select %ge3A_145, %sub3A_148, %broadcast_in_dim3A_150 : vector<16xi1>, vector<16xi32>
          %gather3A_152 = tpu.vector_load_idx %arg9[%select_n3A_151] masked %ge3A_145 : memref<50048xf32, #tpu.memory_space<vmem>>[vector<16xi32>], vector<16xf32>, vector<16xi1>
          %get3A_153 = arith.index_cast %mul3A_140 : i32 to index
          %get3A_154 = tpu.vector_load %arg12[%get3A_153] {strides = array<i32>} : memref<8192xf32, #tpu.memory_space<vmem>>, vector<16xf32>,
          %add3A_155 = arith.addf %gather3A_152, %broadcast_in_dim3A_80 : vector<16xf32>
          %select_n3A_156 = arith.select %ge3A_145, %add3A_155, %get3A_154 : vector<16xi1>, vector<16xf32>
          %swap3A_157 = arith.index_cast %mul3A_140 : i32 to index
          %swap3A_158 = tpu.vector_load %arg12[%swap3A_157] {strides = array<i32>} : memref<8192xf32, #tpu.memory_space<vmem>>, vector<16xf32>,
          tpu.vector_store %arg12[%swap3A_157], %select_n3A_156 {strides = array<i32>} : memref<8192xf32, #tpu.memory_space<vmem>>, vector<16xf32>,
          %mul3A_159 = arith.constant 8 : i32
          %mul3A_160 = arith.muli %scan3A_112, %mul3A_159 : i32
          %add3A_161 = arith.constant 2 : i32
          %add3A_162 = arith.addi %mul3A_160, %add3A_161 : i32
          %mul3A_163 = arith.constant 16 : i32
          %mul3A_164 = arith.muli %add3A_162, %mul3A_163 : i32
          %get3A_165 = arith.index_cast %mul3A_164 : i32 to index
          %get3A_166 = tpu.vector_load %arg11[%get3A_165] {strides = array<i32>} : memref<8192xi32, #tpu.memory_space<vmem>>, vector<16xi32>,
          %ge3A_167 = arith.constant 50048 : i32
          %ge3A_168 = vector.broadcast %ge3A_167 : i32 to vector<16xi32>
          %ge3A_169 = arith.cmpi sge, %get3A_166, %ge3A_168 : vector<16xi32>
          %sub3A_170 = arith.constant 50048 : i32
          %sub3A_171 = vector.broadcast %sub3A_170 : i32 to vector<16xi32>
          %sub3A_172 = arith.subi %get3A_166, %sub3A_171 : vector<16xi32>
          %jit3A_173 = arith.constant 0 : i32
          %broadcast_in_dim3A_174 = vector.broadcast %jit3A_173 : i32 to vector<16xi32>
          %select_n3A_175 = arith.select %ge3A_169, %sub3A_172, %broadcast_in_dim3A_174 : vector<16xi1>, vector<16xi32>
          %gather3A_176 = tpu.vector_load_idx %arg9[%select_n3A_175] masked %ge3A_169 : memref<50048xf32, #tpu.memory_space<vmem>>[vector<16xi32>], vector<16xf32>, vector<16xi1>
          %get3A_177 = arith.index_cast %mul3A_164 : i32 to index
          %get3A_178 = tpu.vector_load %arg12[%get3A_177] {strides = array<i32>} : memref<8192xf32, #tpu.memory_space<vmem>>, vector<16xf32>,
          %add3A_179 = arith.addf %gather3A_176, %broadcast_in_dim3A_80 : vector<16xf32>
          %select_n3A_180 = arith.select %ge3A_169, %add3A_179, %get3A_178 : vector<16xi1>, vector<16xf32>
          %swap3A_181 = arith.index_cast %mul3A_164 : i32 to index
          %swap3A_182 = tpu.vector_load %arg12[%swap3A_181] {strides = array<i32>} : memref<8192xf32, #tpu.memory_space<vmem>>, vector<16xf32>,
          tpu.vector_store %arg12[%swap3A_181], %select_n3A_180 {strides = array<i32>} : memref<8192xf32, #tpu.memory_space<vmem>>, vector<16xf32>,
          %mul3A_183 = arith.constant 8 : i32
          %mul3A_184 = arith.muli %scan3A_112, %mul3A_183 : i32
          %add3A_185 = arith.constant 3 : i32
          %add3A_186 = arith.addi %mul3A_184, %add3A_185 : i32
          %mul3A_187 = arith.constant 16 : i32
          %mul3A_188 = arith.muli %add3A_186, %mul3A_187 : i32
          %get3A_189 = arith.index_cast %mul3A_188 : i32 to index
          %get3A_190 = tpu.vector_load %arg11[%get3A_189] {strides = array<i32>} : memref<8192xi32, #tpu.memory_space<vmem>>, vector<16xi32>,
          %ge3A_191 = arith.constant 50048 : i32
          %ge3A_192 = vector.broadcast %ge3A_191 : i32 to vector<16xi32>
          %ge3A_193 = arith.cmpi sge, %get3A_190, %ge3A_192 : vector<16xi32>
          %sub3A_194 = arith.constant 50048 : i32
          %sub3A_195 = vector.broadcast %sub3A_194 : i32 to vector<16xi32>
          %sub3A_196 = arith.subi %get3A_190, %sub3A_195 : vector<16xi32>
          %jit3A_197 = arith.constant 0 : i32
          %broadcast_in_dim3A_198 = vector.broadcast %jit3A_197 : i32 to vector<16xi32>
          %select_n3A_199 = arith.select %ge3A_193, %sub3A_196, %broadcast_in_dim3A_198 : vector<16xi1>, vector<16xi32>
          %gather3A_200 = tpu.vector_load_idx %arg9[%select_n3A_199] masked %ge3A_193 : memref<50048xf32, #tpu.memory_space<vmem>>[vector<16xi32>], vector<16xf32>, vector<16xi1>
          %get3A_201 = arith.index_cast %mul3A_188 : i32 to index
          %get3A_202 = tpu.vector_load %arg12[%get3A_201] {strides = array<i32>} : memref<8192xf32, #tpu.memory_space<vmem>>, vector<16xf32>,
          %add3A_203 = arith.addf %gather3A_200, %broadcast_in_dim3A_80 : vector<16xf32>
          %select_n3A_204 = arith.select %ge3A_193, %add3A_203, %get3A_202 : vector<16xi1>, vector<16xf32>
          %swap3A_205 = arith.index_cast %mul3A_188 : i32 to index
          %swap3A_206 = tpu.vector_load %arg12[%swap3A_205] {strides = array<i32>} : memref<8192xf32, #tpu.memory_space<vmem>>, vector<16xf32>,
          tpu.vector_store %arg12[%swap3A_205], %select_n3A_204 {strides = array<i32>} : memref<8192xf32, #tpu.memory_space<vmem>>, vector<16xf32>,
          %mul3A_207 = arith.constant 8 : i32
          %mul3A_208 = arith.muli %scan3A_112, %mul3A_207 : i32
          %add3A_209 = arith.constant 4 : i32
          %add3A_210 = arith.addi %mul3A_208, %add3A_209 : i32
          %mul3A_211 = arith.constant 16 : i32
          %mul3A_212 = arith.muli %add3A_210, %mul3A_211 : i32
          %get3A_213 = arith.index_cast %mul3A_212 : i32 to index
          %get3A_214 = tpu.vector_load %arg11[%get3A_213] {strides = array<i32>} : memref<8192xi32, #tpu.memory_space<vmem>>, vector<16xi32>,
          %ge3A_215 = arith.constant 50048 : i32
          %ge3A_216 = vector.broadcast %ge3A_215 : i32 to vector<16xi32>
          %ge3A_217 = arith.cmpi sge, %get3A_214, %ge3A_216 : vector<16xi32>
          %sub3A_218 = arith.constant 50048 : i32
          %sub3A_219 = vector.broadcast %sub3A_218 : i32 to vector<16xi32>
          %sub3A_220 = arith.subi %get3A_214, %sub3A_219 : vector<16xi32>
          %jit3A_221 = arith.constant 0 : i32
          %broadcast_in_dim3A_222 = vector.broadcast %jit3A_221 : i32 to vector<16xi32>
          %select_n3A_223 = arith.select %ge3A_217, %sub3A_220, %broadcast_in_dim3A_222 : vector<16xi1>, vector<16xi32>
          %gather3A_224 = tpu.vector_load_idx %arg9[%select_n3A_223] masked %ge3A_217 : memref<50048xf32, #tpu.memory_space<vmem>>[vector<16xi32>], vector<16xf32>, vector<16xi1>
          %get3A_225 = arith.index_cast %mul3A_212 : i32 to index
          %get3A_226 = tpu.vector_load %arg12[%get3A_225] {strides = array<i32>} : memref<8192xf32, #tpu.memory_space<vmem>>, vector<16xf32>,
          %add3A_227 = arith.addf %gather3A_224, %broadcast_in_dim3A_80 : vector<16xf32>
          %select_n3A_228 = arith.select %ge3A_217, %add3A_227, %get3A_226 : vector<16xi1>, vector<16xf32>
          %swap3A_229 = arith.index_cast %mul3A_212 : i32 to index
          %swap3A_230 = tpu.vector_load %arg12[%swap3A_229] {strides = array<i32>} : memref<8192xf32, #tpu.memory_space<vmem>>, vector<16xf32>,
          tpu.vector_store %arg12[%swap3A_229], %select_n3A_228 {strides = array<i32>} : memref<8192xf32, #tpu.memory_space<vmem>>, vector<16xf32>,
          %mul3A_231 = arith.constant 8 : i32
          %mul3A_232 = arith.muli %scan3A_112, %mul3A_231 : i32
          %add3A_233 = arith.constant 5 : i32
          %add3A_234 = arith.addi %mul3A_232, %add3A_233 : i32
          %mul3A_235 = arith.constant 16 : i32
          %mul3A_236 = arith.muli %add3A_234, %mul3A_235 : i32
          %get3A_237 = arith.index_cast %mul3A_236 : i32 to index
          %get3A_238 = tpu.vector_load %arg11[%get3A_237] {strides = array<i32>} : memref<8192xi32, #tpu.memory_space<vmem>>, vector<16xi32>,
          %ge3A_239 = arith.constant 50048 : i32
          %ge3A_240 = vector.broadcast %ge3A_239 : i32 to vector<16xi32>
          %ge3A_241 = arith.cmpi sge, %get3A_238, %ge3A_240 : vector<16xi32>
          %sub3A_242 = arith.constant 50048 : i32
          %sub3A_243 = vector.broadcast %sub3A_242 : i32 to vector<16xi32>
          %sub3A_244 = arith.subi %get3A_238, %sub3A_243 : vector<16xi32>
          %jit3A_245 = arith.constant 0 : i32
          %broadcast_in_dim3A_246 = vector.broadcast %jit3A_245 : i32 to vector<16xi32>
          %select_n3A_247 = arith.select %ge3A_241, %sub3A_244, %broadcast_in_dim3A_246 : vector<16xi1>, vector<16xi32>
          %gather3A_248 = tpu.vector_load_idx %arg9[%select_n3A_247] masked %ge3A_241 : memref<50048xf32, #tpu.memory_space<vmem>>[vector<16xi32>], vector<16xf32>, vector<16xi1>
          %get3A_249 = arith.index_cast %mul3A_236 : i32 to index
          %get3A_250 = tpu.vector_load %arg12[%get3A_249] {strides = array<i32>} : memref<8192xf32, #tpu.memory_space<vmem>>, vector<16xf32>,
          %add3A_251 = arith.addf %gather3A_248, %broadcast_in_dim3A_80 : vector<16xf32>
          %select_n3A_252 = arith.select %ge3A_241, %add3A_251, %get3A_250 : vector<16xi1>, vector<16xf32>
          %swap3A_253 = arith.index_cast %mul3A_236 : i32 to index
          %swap3A_254 = tpu.vector_load %arg12[%swap3A_253] {strides = array<i32>} : memref<8192xf32, #tpu.memory_space<vmem>>, vector<16xf32>,
          tpu.vector_store %arg12[%swap3A_253], %select_n3A_252 {strides = array<i32>} : memref<8192xf32, #tpu.memory_space<vmem>>, vector<16xf32>,
          %mul3A_255 = arith.constant 8 : i32
          %mul3A_256 = arith.muli %scan3A_112, %mul3A_255 : i32
          %add3A_257 = arith.constant 6 : i32
          %add3A_258 = arith.addi %mul3A_256, %add3A_257 : i32
          %mul3A_259 = arith.constant 16 : i32
          %mul3A_260 = arith.muli %add3A_258, %mul3A_259 : i32
          %get3A_261 = arith.index_cast %mul3A_260 : i32 to index
          %get3A_262 = tpu.vector_load %arg11[%get3A_261] {strides = array<i32>} : memref<8192xi32, #tpu.memory_space<vmem>>, vector<16xi32>,
          %ge3A_263 = arith.constant 50048 : i32
          %ge3A_264 = vector.broadcast %ge3A_263 : i32 to vector<16xi32>
          %ge3A_265 = arith.cmpi sge, %get3A_262, %ge3A_264 : vector<16xi32>
          %sub3A_266 = arith.constant 50048 : i32
          %sub3A_267 = vector.broadcast %sub3A_266 : i32 to vector<16xi32>
          %sub3A_268 = arith.subi %get3A_262, %sub3A_267 : vector<16xi32>
          %jit3A_269 = arith.constant 0 : i32
          %broadcast_in_dim3A_270 = vector.broadcast %jit3A_269 : i32 to vector<16xi32>
          %select_n3A_271 = arith.select %ge3A_265, %sub3A_268, %broadcast_in_dim3A_270 : vector<16xi1>, vector<16xi32>
          %gather3A_272 = tpu.vector_load_idx %arg9[%select_n3A_271] masked %ge3A_265 : memref<50048xf32, #tpu.memory_space<vmem>>[vector<16xi32>], vector<16xf32>, vector<16xi1>
          %get3A_273 = arith.index_cast %mul3A_260 : i32 to index
          %get3A_274 = tpu.vector_load %arg12[%get3A_273] {strides = array<i32>} : memref<8192xf32, #tpu.memory_space<vmem>>, vector<16xf32>,
          %add3A_275 = arith.addf %gather3A_272, %broadcast_in_dim3A_80 : vector<16xf32>
          %select_n3A_276 = arith.select %ge3A_265, %add3A_275, %get3A_274 : vector<16xi1>, vector<16xf32>
          %swap3A_277 = arith.index_cast %mul3A_260 : i32 to index
          %swap3A_278 = tpu.vector_load %arg12[%swap3A_277] {strides = array<i32>} : memref<8192xf32, #tpu.memory_space<vmem>>, vector<16xf32>,
          tpu.vector_store %arg12[%swap3A_277], %select_n3A_276 {strides = array<i32>} : memref<8192xf32, #tpu.memory_space<vmem>>, vector<16xf32>,
          %mul3A_279 = arith.constant 8 : i32
          %mul3A_280 = arith.muli %scan3A_112, %mul3A_279 : i32
          %add3A_281 = arith.constant 7 : i32
          %add3A_282 = arith.addi %mul3A_280, %add3A_281 : i32
          %mul3A_283 = arith.constant 16 : i32
          %mul3A_284 = arith.muli %add3A_282, %mul3A_283 : i32
          %get3A_285 = arith.index_cast %mul3A_284 : i32 to index
          %get3A_286 = tpu.vector_load %arg11[%get3A_285] {strides = array<i32>} : memref<8192xi32, #tpu.memory_space<vmem>>, vector<16xi32>,
          %ge3A_287 = arith.constant 50048 : i32
          %ge3A_288 = vector.broadcast %ge3A_287 : i32 to vector<16xi32>
          %ge3A_289 = arith.cmpi sge, %get3A_286, %ge3A_288 : vector<16xi32>
          %sub3A_290 = arith.constant 50048 : i32
          %sub3A_291 = vector.broadcast %sub3A_290 : i32 to vector<16xi32>
          %sub3A_292 = arith.subi %get3A_286, %sub3A_291 : vector<16xi32>
          %jit3A_293 = arith.constant 0 : i32
          %broadcast_in_dim3A_294 = vector.broadcast %jit3A_293 : i32 to vector<16xi32>
          %select_n3A_295 = arith.select %ge3A_289, %sub3A_292, %broadcast_in_dim3A_294 : vector<16xi1>, vector<16xi32>
          %gather3A_296 = tpu.vector_load_idx %arg9[%select_n3A_295] masked %ge3A_289 : memref<50048xf32, #tpu.memory_space<vmem>>[vector<16xi32>], vector<16xf32>, vector<16xi1>
          %get3A_297 = arith.index_cast %mul3A_284 : i32 to index
          %get3A_298 = tpu.vector_load %arg12[%get3A_297] {strides = array<i32>} : memref<8192xf32, #tpu.memory_space<vmem>>, vector<16xf32>,
          %add3A_299 = arith.addf %gather3A_296, %broadcast_in_dim3A_80 : vector<16xf32>
          %select_n3A_300 = arith.select %ge3A_289, %add3A_299, %get3A_298 : vector<16xi1>, vector<16xf32>
          %swap3A_301 = arith.index_cast %mul3A_284 : i32 to index
          %swap3A_302 = tpu.vector_load %arg12[%swap3A_301] {strides = array<i32>} : memref<8192xf32, #tpu.memory_space<vmem>>, vector<16xf32>,
          tpu.vector_store %arg12[%swap3A_301], %select_n3A_300 {strides = array<i32>} : memref<8192xf32, #tpu.memory_space<vmem>>, vector<16xf32>,
        }
        %scan3A_103 = arith.constant 64 : i32
        %mul3A_104 = arith.constant 8192 : i32
        %mul3A_105 = arith.muli %select_n3A_28, %mul3A_104 : i32
        "tpu.region"() ({
          %run_scoped3A_112 = tpu.sem_alloc : memref<!tpu.dma_semaphore, #tpu.memory_space<semaphore_mem>>
          %dma_start3A = tpu.memref_slice %arg8[%select_n3A_7, %mul3A_105] : memref<8x16384xf32, #tpu.memory_space<vmem_shared>> -> memref<1x8192xf32, #tpu.memory_space<vmem_shared>>
          %dma_start3A_113 = tpu.memref_squeeze %dma_start3A : memref<1x8192xf32, #tpu.memory_space<vmem_shared>> -> memref<8192xf32, #tpu.memory_space<vmem_shared>>
          %dma_start3A_114 = tpu.memref_slice %arg8[%select_n3A_7, %mul3A_105] : memref<8x16384xf32, #tpu.memory_space<vmem_shared>> -> memref<1x8192xf32, #tpu.memory_space<vmem_shared>>
          %dma_start3A_115 = tpu.memref_squeeze %dma_start3A_114 : memref<1x8192xf32, #tpu.memory_space<vmem_shared>> -> memref<8192xf32, #tpu.memory_space<vmem_shared>>
          tpu.enqueue_dma source(%arg12 : memref<8192xf32, #tpu.memory_space<vmem>>) target(%dma_start3A_115 : memref<8192xf32, #tpu.memory_space<vmem_shared>>) target_semaphore(%run_scoped3A_112 : memref<!tpu.dma_semaphore, #tpu.memory_space<semaphore_mem>>)
          %dma_wait3A = tpu.memref_slice %arg8[%select_n3A_7, %mul3A_105] : memref<8x16384xf32, #tpu.memory_space<vmem_shared>> -> memref<1x8192xf32, #tpu.memory_space<vmem_shared>>
          %dma_wait3A_116 = tpu.memref_squeeze %dma_wait3A : memref<1x8192xf32, #tpu.memory_space<vmem_shared>> -> memref<8192xf32, #tpu.memory_space<vmem_shared>>
          %dma_wait3A_117 = tpu.memref_slice %arg8[%select_n3A_7, %mul3A_105] : memref<8x16384xf32, #tpu.memory_space<vmem_shared>> -> memref<1x8192xf32, #tpu.memory_space<vmem_shared>>
          %dma_wait3A_118 = tpu.memref_squeeze %dma_wait3A_117 : memref<1x8192xf32, #tpu.memory_space<vmem_shared>> -> memref<8192xf32, #tpu.memory_space<vmem_shared>>
          tpu.wait_dma2 semaphore(%run_scoped3A_112 : memref<!tpu.dma_semaphore, #tpu.memory_space<semaphore_mem>>) src(%arg12 : memref<8192xf32, #tpu.memory_space<vmem>>) dst(%dma_wait3A_118 : memref<8192xf32, #tpu.memory_space<vmem_shared>>)
          tpu.yield
        }) : () -> ()
        %barrier3A_106 = arith.constant 0 : index
        tpu.barrier barrier_id(%barrier3A_106)
        %eq3A_107 = arith.constant 0 : i32
        %eq3A_108 = arith.cmpi eq, %arg1, %eq3A_107 : i32
        %convert_element_type3A_109 = arith.extui %eq3A_108 : i1 to i32
        %cond3A_110 = arith.constant 0 : i32
        %cond3A_111 = arith.cmpi ne, %convert_element_type3A_109, %cond3A_110 : i32
        scf.if %cond3A_111 {
          "tpu.region"() ({
            %run_scoped3A_112 = tpu.sem_alloc : memref<!tpu.dma_semaphore, #tpu.memory_space<semaphore_mem>>
            %dma_start3A = arith.constant 0 : i32
            %dma_start3A_113 = tpu.memref_slice %arg6[%scan3A_35, %multiple_of3A_65, %dma_start3A] : memref<26x32x16384xf32, #tpu.memory_space<hbm>> -> memref<1x8x16384xf32, #tpu.memory_space<hbm>>
            %dma_start3A_114 = tpu.memref_squeeze %dma_start3A_113 : memref<1x8x16384xf32, #tpu.memory_space<hbm>> -> memref<8x16384xf32, #tpu.memory_space<hbm>>
            tpu.enqueue_dma source(%arg8 : memref<8x16384xf32, #tpu.memory_space<vmem_shared>>) target(%dma_start3A_114 : memref<8x16384xf32, #tpu.memory_space<hbm>>) target_semaphore(%run_scoped3A_112 : memref<!tpu.dma_semaphore, #tpu.memory_space<semaphore_mem>>)
            %dma_wait3A = arith.constant 0 : i32
            %dma_wait3A_115 = tpu.memref_slice %arg6[%scan3A_35, %multiple_of3A_65, %dma_wait3A] : memref<26x32x16384xf32, #tpu.memory_space<hbm>> -> memref<1x8x16384xf32, #tpu.memory_space<hbm>>
            %dma_wait3A_116 = tpu.memref_squeeze %dma_wait3A_115 : memref<1x8x16384xf32, #tpu.memory_space<hbm>> -> memref<8x16384xf32, #tpu.memory_space<hbm>>
            tpu.wait_dma2 semaphore(%run_scoped3A_112 : memref<!tpu.dma_semaphore, #tpu.memory_space<semaphore_mem>>) src(%arg8 : memref<8x16384xf32, #tpu.memory_space<vmem_shared>>) dst(%dma_wait3A_116 : memref<8x16384xf32, #tpu.memory_space<hbm>>)
            tpu.yield
          }) : () -> ()
        } else {
        }
      }
      %scan3A_58 = arith.constant 2 : i32
    }
    %scan3A_34 = arith.constant 26 : i32
    return
  }
}

</mosaic_0001>

<sc_bundles>
// kernel: kernel.3.cloned.1.call-start
scs
__scs_entry_jumppad:
0x0: {  	(pc) =	sbr.rel $0x88, $3  }
0x1: {  	(tag) =	ssettag $0x0;
	lr =	simm.s32 $0x1  }
0x2: {  	[smem:$0x3F9E] =	sst lr;
	_ =	strace $0xD0000000  }
0x3: {  	_ = 	snop  }
0x4: {  	_ = 	snop  }
0x5: {  	_ = 	snop  }
0x6: {  	_ = 	snop  }
0x7: {  	_ = 	snop  }
__scs_overlays_trampoline_lowered:
0x8: {  	[smem:$0x3FAD] =	sst s0  }
0x9: {  	[smem:$0x3FAE] =	sst s1  }
0xa: {  	[smem:$0x3FAF] =	sst s2  }
0xb: {  	[smem:$0x3FB0] =	sst s3  }
0xc: {  	[smem:$0x3FB1] =	sst s4  }
0xd: {  	[smem:$0x3FB2] =	sst s5  }
0xe: {  	[smem:$0x3FB3] =	sst s6  }
0xf: {  	[smem:$0x3FB4] =	sst s7  }
0x10: {  	[smem:$0x3FB5] =	sst s8  }
0x11: {  	[smem:$0x3FB6] =	sst s9;
	s0 =	simm.s32 @!p0 $0x0  }
0x12: {  	s1 =	sld [smem:$0x3F9C];
	s0 =	simm.s32 @p0 $0x1  }
0x13: {  	[smem:$0x3FB7] =	sst s0;
	s0 =	simm.s32 @!p1 $0x0  }
0x14: {  	s2 =	sld [smem:$0x3F9B];
	s0 =	simm.s32 @p1 $0x1  }
0x15: {  	[smem:$0x3FB8] =	sst s0;
	s0 =	simm.s32 @!p2 $0x0  }
0x16: {  	s3 =	sld [smem:$0x3FDB];
	s0 =	simm.s32 @p2 $0x1  }
0x17: {  	s4 =	simm.s32 $0x1BF5;
	[smem:$0x3FBA] =	sst s0  }
0x18: {  	s0 =	sld [smem:$0x3F9D];
	_ =	swait.ge [sflag:s4], $0x0  }
0x19: {  	s7 =	sld [smem:$0x3F9E]  }
0x1a: {  	s8 =	sadd.s32 $0xFFFFE003, lr  }
0x1b: {  	s9 =	sadd.s32 $0xFFFFFEF7, lr;
	s5 =	simm.s32 $0xFFFFFFFF;
	p2 =	slt.u32 s8, $0xFFFFF086  }
0x1c: {  	p1 =	slt.u32 s9, $0xF7A;
	s5 =	simm.s32 @!p2 $0x0  }
0x1d: {  	s5 =	simm.s32 @p1 $0x1;
	p0 =	seq.s32 s7, s2  }
0x1e: {  	s7 =	smul.u32 @!p0 $0xF7A, s2;
	p2 =	seq.s32 @!p0 s5, $0x0  }
0x1f: {  	s9 =	smul.u32 $0xF7A, s1;
	s8 =	simm.s32 @!p0 $0x1BF5;
	p2 =	por !p2, p0  }
0x20: {  	[sflag:s8] =	ssyncset.s32 @!p0 $0xFFFFF086;
	s6 =	sadd.s32 @!p0 s3, s7;
	s7 =	simm.s32 @!p0 $0x108  }
0x21: {  	s3 =	sadd.s32 s3, s9;
	s6 =	sadd.s32 @!p0 $0x88, s6;
	s7 =	simm.s32 @p2 $0x1082  }
0x22: {  	[simem:s7], [sflag:s8] =	dma.local @!p0 [hbm:s6], $0xF7A  }
0x23: {  	s9 =	sor.u32 $0xD0000000, s2;
	s6 =	simm.s32 $0x108;
	_ =	swait.ge @!p0 [sflag:s8], $0x0  }
0x24: {  	s3 =	sadd.s32 $0x88, s3;
	s6 =	simm.s32 @!p1 $0x1082;
	[sflag:s4] =	ssyncset.s32 $0xFFFFF086  }
0x25: {  	[simem:s6], [sflag:s4] =	dma.local [hbm:s3], $0xF7A  }
0x26: {  	[smem:$0x3F9E] =	sst s1;
	(tag) =	ssettag s2;
	_ =	strace s9  }
0x27: {  	s1 =	sld [smem:$0x3FAE]  }
0x28: {  	s2 =	sld [smem:$0x3FAF]  }
0x29: {  	s4 =	sld [smem:$0x3FB1]  }
0x2a: {  	p0 =	seq.s32 s5, $0x0;
	s5 =	sld [smem:$0x3FB2]  }
0x2b: {  	s6 =	sld [smem:$0x3FB3]  }
0x2c: {  	s7 =	sld [smem:$0x3FB4]  }
0x2d: {  	s3 =	simm.s32 $0x108;
	s8 =	sld [smem:$0x3FB5]  }
0x2e: {  	s3 =	simm.s32 @!p0 $0x1082;
	s9 =	sld [smem:$0x3FB6]  }
0x2f: {  	lr =	sadd.s32 s0, s3;
	s0 =	sld [smem:$0x3FAD]  }
0x30: {  	s3 =	sld [smem:$0x3FB0]  }
0x31: {  	[smem:$0x3FB9] =	sst s10  }
0x32: {  	s10 =	sld [smem:$0x3FB7];
	_ =	sdelay $0x3  }
0x33: {  	p0 =	seq.s32 s10, $0x1;
	s10 =	sld [smem:$0x3FB9];
	_ =	sdelay $0x3  }
0x34: {  	[smem:$0x3FB9] =	sst s10  }
0x35: {  	s10 =	sld [smem:$0x3FB8];
	_ =	sdelay $0x3  }
0x36: {  	p1 =	seq.s32 s10, $0x1;
	s10 =	sld [smem:$0x3FB9];
	_ =	sdelay $0x3  }
0x37: {  	[smem:$0x3FB9] =	sst s10  }
0x38: {  	s10 =	sld [smem:$0x3FBA]  }
0x39: {  	_ = 	snop;
	(pc) =	sbr.ind lr, $3  }
0x3a: {  	_ = 	snop  }
0x3b: {  	_ = 	snop  }
0x3c: {  	p2 =	seq.s32 s10, $0x1;
	s10 =	sld [smem:$0x3FB9]  }
0x3d: {  	_ =	shalt  }
0x3e: {  	_ =	shalt  }
0x3f: {  	_ =	shalt  }
0x40: {  	_ =	shalt  }
0x41: {  	_ =	shalt  }
0x42: {  	_ =	shalt  }
0x43: {  	_ =	shalt  }
0x44: {  	_ =	shalt  }
0x45: {  	_ =	shalt  }
0x46: {  	_ =	shalt  }
0x47: {  	_ =	shalt  }
0x48: {  	_ =	shalt  }
0x49: {  	_ =	shalt  }
0x4a: {  	_ =	shalt  }
0x4b: {  	_ =	shalt  }
0x4c: {  	_ =	shalt  }
0x4d: {  	_ =	shalt  }
0x4e: {  	_ =	shalt  }
0x4f: {  	_ =	shalt  }
0x50: {  	_ =	shalt  }
0x51: {  	_ =	shalt  }
0x52: {  	_ =	shalt  }
0x53: {  	_ =	shalt  }
0x54: {  	_ =	shalt  }
0x55: {  	_ =	shalt  }
0x56: {  	_ =	shalt  }
0x57: {  	_ =	shalt  }
0x58: {  	_ =	shalt  }
0x59: {  	_ =	shalt  }
0x5a: {  	_ =	shalt  }
0x5b: {  	_ =	shalt  }
0x5c: {  	_ =	shalt  }
0x5d: {  	_ =	shalt  }
0x5e: {  	_ =	shalt  }
0x5f: {  	_ =	shalt  }
0x60: {  	_ =	shalt  }
0x61: {  	_ =	shalt  }
0x62: {  	_ =	shalt  }
0x63: {  	_ =	shalt  }
0x64: {  	_ =	shalt  }
0x65: {  	_ =	shalt  }
0x66: {  	_ =	shalt  }
0x67: {  	_ =	shalt  }
0x68: {  	_ =	shalt  }
0x69: {  	_ =	shalt  }
0x6a: {  	_ =	shalt  }
0x6b: {  	_ =	shalt  }
0x6c: {  	_ =	shalt  }
0x6d: {  	_ =	shalt  }
0x6e: {  	_ =	shalt  }
0x6f: {  	_ =	shalt  }
0x70: {  	_ =	shalt  }
0x71: {  	_ =	shalt  }
0x72: {  	_ =	shalt  }
0x73: {  	_ =	shalt  }
0x74: {  	_ =	shalt  }
0x75: {  	_ =	shalt  }
0x76: {  	_ =	shalt  }
0x77: {  	_ =	shalt  }
0x78: {  	_ =	shalt  }
0x79: {  	_ =	shalt  }
0x7a: {  	_ =	shalt  }
0x7b: {  	_ =	shalt  }
0x7c: {  	_ =	shalt  }
0x7d: {  	_ =	shalt  }
0x7e: {  	_ =	shalt  }
0x7f: {  	_ =	shalt  }
0x80: {  	_ =	shalt  }
0x81: {  	_ =	shalt  }
0x82: {  	_ =	shalt  }
0x83: {  	_ =	shalt  }
0x84: {  	_ =	shalt  }
0x85: {  	_ =	shalt  }
0x86: {  	_ =	shalt  }
0x87: {  	_ =	shalt  }
.Lfunc_end0:
.L_simem_size_0:
called_computation_lowered:
.L_overlay_start_0:
0x88: {  	s2 =	sld [smem:$0x3FD9]  }
0x89: {  	s3 =	sld [smem:$0x3FFE];
	_ =	sdelay $0x1  }
0x8a: {  	s1 =	srdreg.scid  }
0x8b: {  	s0 =	sand.u32 $0x1, s1  }
0x8c: {  	s17 =	sshll.u32 s0, $0xA;
	s2 =	sadd.s32 s3, s2  }
0x8d: {  	s2 =	sadd.s32 s2, s17  }
0x8e: {  	[smem:$0x3FC5] =	sst s2  }
0x8f: {  	_ = 	snop  }
0x90: {  	s2 =	sld [smem:$0x3FC8]  }
0x91: {  	s18 =	sld [smem:$0x3FD0];
	(tm) =	ssettm $0x1  }
0x92: {  	s4 =	sld [smem:$0x3FFB];
	_ =	sdelay $0x3  }
0x93: {  	_ =	strace s4  }
0x94: {  	s4 =	sld [smem:$0x3FFC];
	_ =	sdelay $0x3  }
0x95: {  	_ =	strace s4  }
0x96: {  	s4 =	sld [smem:$0x3FFD];
	_ =	sdelay $0x3  }
0x97: {  	_ =	strace s4  }
0x98: {  	_ =	strace $0x8FFFFFFF  }
0x99: {  	s19 =	sld [smem:$0x3FDB];
	_ =	sdelay $0x1  }
0x9a: {  	s5 =	simm.s32 $_scs_section_size  }
0x9b: {  	s6 =	simm.s32 $_size__tile_overlayer_lowered;
	s7 =	simm.s32 $_tile_overlayer_lowered  }
0x9c: {  	s22 =	simm.s32 $0x1BFF;
	s21 =	sshll.u32 s7, $0x1;
	s4 =	sadd.s32 s5, s19  }
0x9d: {  	s8 =	simm.s32 $0x0;
	s20 =	sshll.u32 s6, $0x1;
	s6 =	sadd.s32 s21, s4  }
0x9e: {  	[timem:s8], [sflag:s22] =	dma.local [hbm:s6], s20  }
0x9f: {  	_ =	swait.ge [sflag:s22], s20  }
0xa0: {  	s5 =	ssub.s32 $0x0, s20;
	[sflag:s22] =	ssyncset.done $0x0  }
0xa1: {  	[sflag:s22] =	ssyncadd.s32 s5;
	_ =	sdelay $0x1  }
0xa2: {  	s23 =	simm.s32 $0x1B8B  }
0xa3: {  	_ =	swait.ge [sflag:s23], $0x1  }
0xa4: {  	[sflag:s23] =	ssyncset.done $0x0  }
0xa5: {  	s25 =	simm.s32 $0x1B8E;
	s24 =	sld [smem:$0x3FFE];
	[sflag:s23] =	ssyncadd.s32 $0xFFFFFFFF  }
0xa6: {  	s26 =	simm.s32 $execute0_lowered;
	[smem:$0x3FD2] =	sst s25  }
0xa7: {  	s6 =	sshll.u32 s26, $0x1;
	_ =	strace $0x80000046;
	[dreg:$0x1] =	wrdreg $0xFFFFFFFF  }
0xa8: {  	s28 =	simm.s32 $_size_execute0_lowered;
	s4 =	sadd.s32 s4, s6;
	[dreg:$0x0] =	wrdreg $0x0  }
0xa9: {  	s6 =	sshll.u32 s28, $0x1;
	[dreg:$0x2] =	wrdreg s4  }
0xaa: {  	[dreg:$0x3] =	wrdreg s6  }
0xab: {  	[dreg:$0x4] =	wrdreg $0xC0  }
0xac: {  	_ =	task [dreg:s8], $0x5FFFF  }
0xad: {  	[dreg:$0x1] =	wrdreg $0xFFFFFFFF  }
0xae: {  	[dreg:$0x0] =	wrdreg $0x60  }
0xaf: {  	[dreg:$0x2] =	wrdreg s24  }
0xb0: {  	[dreg:$0x3] =	wrdreg s2  }
0xb1: {  	[dreg:$0x4] =	wrdreg s18  }
0xb2: {  	[dreg:$0x5] =	wrdreg $0x0  }
0xb3: {  	[dreg:$0x6] =	wrdreg $0xC3500  }
0xb4: {  	[dreg:$0x7] =	wrdreg $0x9  }
0xb5: {  	_ =	task.clear_ibuf [dreg:s8], $0x8FFFF;
	_ =	strace $0x90000046  }
0xb6: {  	s29 =	simm.s32 $0x9;
	_ =	strace $0x80000048  }
0xb7: {  	_ =	swait.ge [sflag:s29], $0x1  }
0xb8: {  	[sflag:s29] =	ssyncadd.s32 $0xFFFFFFFF  }
0xb9: {  	_ =	strace $0x90000048  }
0xba: {  	_ =	sfence  }
0xbb: {  	s30 =	sld [smem:$0x0];
	_ =	sdelay $0x2  }
0xbc: {  	s31 =	sshll.u32 s1, $0xD;
	s1 =	sshrl.u32 s1, $0x2  }
0xbd: {  	s3 =	sand.u32 $0x4000, s31;
	s1 =	sadd.s32 s1, s30  }
0xbe: {  	s0 =	sor.u32 s3, s0;
	s1 =	sshll.u32 s1, $0x11  }
0xbf: {  	s0 =	sor.u32 s1, s0  }
0xc0: {  	s0 =	sadd.s32 $0x8F2B, s0  }
0xc1: {  	[sflag:s0] =	ssyncadd.remote.s32 $0x1  }
0xc2: {  	_ =	sfence.sel $0xFFFF  }
0xc3: {  	[dreg:$0x0] =	wrdreg $0xFFFFFFFF;
	(pc) =	sbr.abs _section_cstart, $3  }
0xc4: {  	[dreg:$0x1] =	wrdreg $0xFFFFFFFF  }
0xc5: {  	_ =	task.clear_ibuf [dreg:s8], $0x2FFFF;
	_ =	strace $0x9FFFFFFF  }
0xc6: {  	(tm) =	ssettm $0x7FFFFFFF  }
0xc7: {  	_ =	shalt  }
tec
execute0_lowered:
.L_overlay_start_1:
0x0: {  	(tag) =	ssettag $0x1  }
0x1: {  	s0 =	rddreg [dreg:$0x0]  }
0x2: {  	s1 =	rddreg [dreg:$0x1]  }
0x3: {  	s2 =	rddreg [dreg:$0x2]  }
0x4: {  	s13 =	rddreg [dreg:$0x3]  }
0x5: {  	s3 =	rddreg [dreg:$0x4];
	s4 =	simm.s32 $0x0  }
0x6: {  	s18 =	stileid.u32;
	s5 =	srdreg.scid;
	s15 =	simm.s32 $0x400  }
0x7: {  	s16 =	simm.s32 $0x1AAD0;
	s17 =	simm.s32 $0x1;
	s20 =	simm.s32 $0x1A6D0  }
0x8: {  	s21 =	simm.s32 $0x2;
	s22 =	simm.s32 $0xE350;
	s23 =	simm.s32 $0x1CAD0  }
0x9: {  	s25 =	simm.s32 $0x0;
	[smem:$0x7FF] =	sst s4;
	s8 =	sshrl.u32 s18, $0x3  }
0xa: {  	s9 =	sand.u32 $0x1, s5;
	s5 =	sadd.s32 $0x1200, s0;
	s7 =	sand.u32 $0x7, s18  }
0xb: {  	p0 =	sne.s32 s18, $0x0;
	s18 =	simm.s32 $0x1EAD0;
	_ =	strace $0x80000047  }
0xc: {  	s6 =	sshll.u32 s8, $0x4;
	s11 =	ssub.s32 $0x2, s9;
	s12 =	sshll.u32 s7, $0x7  }
0xd: {  	s31 =	sshll.u32 s8, $0x10;
	s8 =	sshll.u32 s9, $0x4;
	s19 =	sshrl.u32 @!p0 s13, $0x3  }
0xe: {  	s10 =	sadd.s32 s6, s0;
	s6 =	sadd.s32 $0x400, s0;
	s30 =	sshrl.u32 s11, $0x1  }
0xf: {  	s9 =	sadd.s32 s12, s13;
	s14 =	sadd.s32 s31, s3;
	s0 =	ssub.s32 s11, s30  }
0x10: {  	s10 =	sadd.s32 $0x1B200, s10;
	s11 =	sadd.s32 $0x61C00, s9;
	s0 =	smax.u32 s0, $0x1  }
0x11: {  	v0 =	vlaneseq.u32;
	s12 =	sadd.s32 s12, s14;
	s14 =	simm.s32 $0x80;
	[dreg:$0x6] =	wrdreg s0  }
.LBB2_1:
0x12: {  	s24 =	simm.s32 $0x0  }
.LBB2_2:
0x13: {  	s0 =	sshll.u32 s24, $0xD  }
0x14: {  	s0 =	sadd.s32 s0, s10  }
0x15: {  	[tilespmem:s16], [sflag:$0x1] =	stream.strided.gather [hbm4b:s0+s14], $0x2000, s15, s14, $0x38;
	[tilespmem:$0x1EB50] =	vst v63  }
0x16: {  	_ =	swait.ge [sflag:s17], $0x2000  }
0x17: {  	s26 =	sshll.u32 s24, $0x7;
	[sflag:s17] =	ssyncset.done $0x0  }
0x18: {  	s0 =	sadd.s32 s6, s26;
	[sflag:s17] =	ssyncadd.s32 $0xFFFFE000  }
0x19: {  	[tilespmem:s18], [sflag:$0x1] =	stream.linear.gather [hbm4b:s0+s25], $0x80, $0x38;
	[tilespmem:$0x1EB50] =	vst v63  }
0x1a: {  	_ =	swait.ge [sflag:s17], $0x80  }
0x1b: {  	s30 =	sshll.u32 s24, $0xC;
	s31 =	sshll.u32 s24, $0x10;
	[sflag:s17] =	ssyncset.done $0x0  }
0x1c: {  	p2 =	por $0x1, $0x1;
	s28 =	sadd.s32 s5, s30;
	[sflag:s17] =	ssyncadd.s32 $0xFFFFFF80  }
0x1d: {  	s29 =	sadd.s32 s2, s31;
	s26 =	smul.u32 $0x30E000, s24;
	s0 =	simm.s32 $0x0;
	v1 =	vld [tilespmem:s8+$0x1EAD0]  }
.LBB2_3:
0x1e: {  	s30 =	sor.u32 s8, s0  }
0x1f: {  	s13 =	sshrl.u32 @!p0 s30, $0x3  }
0x20: {  	s13 =	smul.u32 @!p0 $0xC3800, s13;
	_ =	sdelay $0x1  }
0x21: {  	s13 =	sadd.s32 @!p0 s26, s13  }
0x22: {  	s13 =	sshrl.u32 @!p0 s13, $0x3  }
0x23: {  	s31 =	simm.s32 @!p0 $0x1C02;
	s13 =	sadd.s32 @!p0 s1, s13  }
0x24: {  	[spmem:s19], [sflag:s31] =	dma.local @!p0 [hbm:s13], $0x18700  }
0x25: {  	s13 =	simm.s32 @!p0 $0x2  }
0x26: {  	_ =	swait.ge @!p0 [sflag:s13], $0x18700  }
0x27: {  	s31 =	sor.u32 s7, s30;
	[sflag:s13] =	ssyncset.done @!p0 $0x0  }
0x28: {  	s0 =	sor.u32 s7, s0;
	[sflag:s13] =	ssyncadd.s32 @!p0 $0xFFFE7900;
	s13 =	sshll.u32 s31, $0x7  }
0x29: {  	v2 =	vmov s0;
	[bflag:$0x0] =	sbarrier.arrive $0xFFFF;
	s13 =	sadd.s32 s13, s28  }
0x2a: {  	vm0 =	veq.s32 v2, v0;
	[tilespmem:s20], [sflag:$0x2] =	stream.linear.gather [hbm4b:s13+s25], $0x400, $0x38;
	[tilespmem:$0x1EB50] =	vst v63  }
0x2b: {  	v2 =	vnsel vm0, $0x0, v1;
	_ =	swait.ge [sflag:s21], $0x400  }
0x2c: {  	(xrf2) =	vadd.scan.msk.f32 $0xffff, v2;
	_ =	sdelay $0x7  }
0x2d: {  	[sflag:s21] =	ssyncset.done $0x0  }
0x2e: {  	[sflag:s21] =	ssyncadd.s32 $0xFFFFFC00  }
0x2f: {  	[tilespmem:s22], [sflag:$0x2] =	stream.strided.gather [spmem:s9], $0xC380, s15, s14, $0x38;
	v2, _, _ =	vpop (xrf2);
	[tilespmem:$0x1EB50] =	vst v63  }
0x30: {  	_ =	swait.ge [sflag:s21], $0xC380  }
0x31: {  	[sflag:s21] =	ssyncset.done $0x0  }
0x32: {  	s31 =	simm.s32 $0x0;
	[sflag:s21] =	ssyncadd.s32 $0xFFFF3C80  }
0x33: {  	v3 =	vld [tilespmem:s31+$0x1AAD0];
	_ =	sdelay $0x4  }
0x34: {  	vm0 =	vlt.s32 v3, $0xC380  }
0x35: {  	v3 =	vnsel vm0, $0x0, v3;
	_ =	sdelay $0x1  }
0x36: {  	v4 =	vld [tilespmem:s31+$0x1AAE0];
	_ =	sdelay $0x2  }
0x37: {  	v3 =	vld.idx.msk [tilespmem:v3+s22+$0x0], vm0;
	_ =	sdelay $0x1  }
0x38: {  	vm0 =	vlt.s32 v4, $0xC380  }
0x39: {  	v2 =	vbroadcast v2, $0xF;
	v4 =	vnsel vm0, $0x0, v4;
	_ =	sdelay $0x1  }
0x3a: {  	v5 =	vld [tilespmem:s31+$0x1AAF0];
	v3 =	vadd.f32 v3, v2;
	_ =	sdelay $0x1  }
0x3b: {  	[tilespmem:s31+$0x1CAD0] =	vst v3  }
0x3c: {  	v3 =	vld.idx.msk [tilespmem:v4+s22+$0x0], vm0;
	_ =	sdelay $0x1  }
0x3d: {  	vm0 =	vlt.s32 v5, $0xC380  }
0x3e: {  	v4 =	vnsel vm0, $0x0, v5;
	_ =	sdelay $0x1  }
0x3f: {  	v5 =	vld [tilespmem:s31+$0x1AB00];
	v3 =	vadd.f32 v3, v2;
	_ =	sdelay $0x1  }
0x40: {  	[tilespmem:s31+$0x1CAE0] =	vst v3  }
0x41: {  	v3 =	vld.idx.msk [tilespmem:v4+s22+$0x0], vm0;
	_ =	sdelay $0x1  }
0x42: {  	vm0 =	vlt.s32 v5, $0xC380  }
0x43: {  	v4 =	vnsel vm0, $0x0, v5;
	_ =	sdelay $0x1  }
0x44: {  	v5 =	vld [tilespmem:s31+$0x1AB10];
	v3 =	vadd.f32 v3, v2;
	_ =	sdelay $0x1  }
0x45: {  	[tilespmem:s31+$0x1CAF0] =	vst v3  }
0x46: {  	v3 =	vld.idx.msk [tilespmem:v4+s22+$0x0], vm0;
	_ =	sdelay $0x1  }
0x47: {  	vm0 =	vlt.s32 v5, $0xC380  }
0x48: {  	v4 =	vnsel vm0, $0x0, v5;
	_ =	sdelay $0x1  }
0x49: {  	v5 =	vld [tilespmem:s31+$0x1AB20];
	v3 =	vadd.f32 v3, v2;
	_ =	sdelay $0x1  }
0x4a: {  	[tilespmem:s31+$0x1CB00] =	vst v3  }
0x4b: {  	v3 =	vld.idx.msk [tilespmem:v4+s22+$0x0], vm0;
	_ =	sdelay $0x1  }
0x4c: {  	vm0 =	vlt.s32 v5, $0xC380  }
0x4d: {  	v4 =	vnsel vm0, $0x0, v5;
	_ =	sdelay $0x1  }
0x4e: {  	v5 =	vld [tilespmem:s31+$0x1AB30];
	v3 =	vadd.f32 v3, v2;
	_ =	sdelay $0x1  }
0x4f: {  	[tilespmem:s31+$0x1CB10] =	vst v3  }
0x50: {  	v3 =	vld.idx.msk [tilespmem:v4+s22+$0x0], vm0;
	_ =	sdelay $0x1  }
0x51: {  	vm0 =	vlt.s32 v5, $0xC380  }
0x52: {  	v4 =	vnsel vm0, $0x0, v5;
	_ =	sdelay $0x1  }
0x53: {  	v5 =	vld [tilespmem:s31+$0x1AB40];
	v3 =	vadd.f32 v3, v2;
	_ =	sdelay $0x1  }
0x54: {  	[tilespmem:s31+$0x1CB20] =	vst v3  }
0x55: {  	v4 =	vld.idx.msk [tilespmem:v4+s22+$0x0], vm0;
	_ =	sdelay $0x1  }
0x56: {  	vm0 =	vlt.s32 v5, $0xC380  }
0x57: {  	v3 =	vnsel vm0, $0x0, v5;
	_ =	sdelay $0x1  }
0x58: {  	p1 =	por p2, p2;
	s0 =	simm.s32 $0x400;
	s13 =	simm.s32 $0x80;
	v4 =	vadd.f32 v4, v2  }
.LBB2_4:
0x59: {  	p2 =	sne.s32 s0, $0x7E00;
	v5 =	vld [tilespmem:s13+$0x1AAD0]  }
0x5a: {  	[tilespmem:s31+$0x1CB30] =	vst v4  }
0x5b: {  	v3 =	vld.idx.msk [tilespmem:v3+s22+$0x0], vm0;
	_ =	sdelay $0x2  }
0x5c: {  	vm0 =	vlt.s32 v5, $0xC380  }
0x5d: {  	v4 =	vnsel vm0, $0x0, v5;
	_ =	sdelay $0x1  }
0x5e: {  	v3 =	vadd.f32 v3, v2  }
0x5f: {  	v5 =	vld [tilespmem:s13+$0x1AAE0]  }
0x60: {  	[tilespmem:s31+$0x1CB40] =	vst v3;
	s31 =	smov.u32 s13  }
0x61: {  	v3 =	vld.idx.msk [tilespmem:v4+s22+$0x0], vm0;
	_ =	sdelay $0x2  }
0x62: {  	vm0 =	vlt.s32 v5, $0xC380  }
0x63: {  	v4 =	vnsel vm0, $0x0, v5;
	_ =	sdelay $0x1  }
0x64: {  	v3 =	vadd.f32 v3, v2  }
0x65: {  	v5 =	vld [tilespmem:s31+$0x1AAF0]  }
0x66: {  	[tilespmem:s31+$0x1CAD0] =	vst v3  }
0x67: {  	v3 =	vld.idx.msk [tilespmem:v4+s22+$0x0], vm0;
	_ =	sdelay $0x2  }
0x68: {  	vm0 =	vlt.s32 v5, $0xC380  }
0x69: {  	v4 =	vnsel vm0, $0x0, v5;
	_ =	sdelay $0x1  }
0x6a: {  	v3 =	vadd.f32 v3, v2  }
0x6b: {  	v5 =	vld [tilespmem:s31+$0x1AB00]  }
0x6c: {  	[tilespmem:s31+$0x1CAE0] =	vst v3  }
0x6d: {  	v3 =	vld.idx.msk [tilespmem:v4+s22+$0x0], vm0;
	_ =	sdelay $0x2  }
0x6e: {  	vm0 =	vlt.s32 v5, $0xC380  }
0x6f: {  	v4 =	vnsel vm0, $0x0, v5;
	_ =	sdelay $0x1  }
0x70: {  	v3 =	vadd.f32 v3, v2  }
0x71: {  	v5 =	vld [tilespmem:s31+$0x1AB10]  }
0x72: {  	[tilespmem:s31+$0x1CAF0] =	vst v3  }
0x73: {  	v3 =	vld.idx.msk [tilespmem:v4+s22+$0x0], vm0;
	_ =	sdelay $0x2  }
0x74: {  	vm0 =	vlt.s32 v5, $0xC380  }
0x75: {  	v4 =	vnsel vm0, $0x0, v5;
	_ =	sdelay $0x1  }
0x76: {  	v3 =	vadd.f32 v3, v2  }
0x77: {  	v5 =	vld [tilespmem:s31+$0x1AB20]  }
0x78: {  	[tilespmem:s31+$0x1CB00] =	vst v3  }
0x79: {  	v3 =	vld.idx.msk [tilespmem:v4+s22+$0x0], vm0;
	_ =	sdelay $0x2  }
0x7a: {  	vm0 =	vlt.s32 v5, $0xC380  }
0x7b: {  	v4 =	vnsel vm0, $0x0, v5;
	_ =	sdelay $0x1  }
0x7c: {  	v3 =	vadd.f32 v3, v2  }
0x7d: {  	v5 =	vld [tilespmem:s31+$0x1AB30]  }
0x7e: {  	[tilespmem:s31+$0x1CB10] =	vst v3  }
0x7f: {  	v3 =	vld.idx.msk [tilespmem:v4+s22+$0x0], vm0;
	_ =	sdelay $0x2  }
0x80: {  	vm0 =	vlt.s32 v5, $0xC380  }
0x81: {  	v4 =	vnsel vm0, $0x0, v5;
	_ =	sdelay $0x1  }
0x82: {  	v3 =	vadd.f32 v3, v2  }
0x83: {  	v5 =	vld [tilespmem:s31+$0x1AB40]  }
0x84: {  	[tilespmem:s31+$0x1CB20] =	vst v3  }
0x85: {  	v4 =	vld.idx.msk [tilespmem:v4+s22+$0x0], vm0;
	_ =	sdelay $0x1  }
.Ltmp0:
0x86: {  	(pc) =	sbr.rel @p2 .LBB2_4-.Ltmp0, $3  }
0x87: {  	vm0 =	vlt.s32 v5, $0xC380  }
0x88: {  	v3 =	vnsel vm0, $0x0, v5;
	_ =	sdelay $0x1  }
0x89: {  	s13 =	sshra.s32 s0, $0x2;
	s0 =	sadd.s32 $0x200, s0;
	v4 =	vadd.f32 v4, v2  }
0x8a: {  	_ =	sdelay $0x1  }
0x8b: {  	v5 =	vld [tilespmem:s13+$0x1AAD0];
	_ =	sdelay $0x1  }
0x8c: {  	[tilespmem:s31+$0x1CB30] =	vst v4  }
0x8d: {  	v3 =	vld.idx.msk [tilespmem:v3+s22+$0x0], vm0;
	_ =	sdelay $0x1  }
0x8e: {  	vm0 =	vlt.s32 v5, $0xC380  }
0x8f: {  	v4 =	vnsel vm0, $0x0, v5;
	_ =	sdelay $0x1  }
0x90: {  	v5 =	vld [tilespmem:s13+$0x1AAE0];
	v3 =	vadd.f32 v3, v2;
	_ =	sdelay $0x1  }
0x91: {  	[tilespmem:s31+$0x1CB40] =	vst v3  }
0x92: {  	v3 =	vld.idx.msk [tilespmem:v4+s22+$0x0], vm0;
	_ =	sdelay $0x1  }
0x93: {  	vm0 =	vlt.s32 v5, $0xC380  }
0x94: {  	v4 =	vnsel vm0, $0x0, v5;
	_ =	sdelay $0x1  }
0x95: {  	v5 =	vld [tilespmem:s13+$0x1AAF0];
	v3 =	vadd.f32 v3, v2;
	_ =	sdelay $0x1  }
0x96: {  	[tilespmem:s13+$0x1CAD0] =	vst v3  }
0x97: {  	v3 =	vld.idx.msk [tilespmem:v4+s22+$0x0], vm0;
	_ =	sdelay $0x1  }
0x98: {  	vm0 =	vlt.s32 v5, $0xC380  }
0x99: {  	v4 =	vnsel vm0, $0x0, v5;
	_ =	sdelay $0x1  }
0x9a: {  	v5 =	vld [tilespmem:s13+$0x1AB00];
	v3 =	vadd.f32 v3, v2;
	_ =	sdelay $0x1  }
0x9b: {  	[tilespmem:s13+$0x1CAE0] =	vst v3  }
0x9c: {  	v3 =	vld.idx.msk [tilespmem:v4+s22+$0x0], vm0;
	_ =	sdelay $0x1  }
0x9d: {  	vm0 =	vlt.s32 v5, $0xC380  }
0x9e: {  	v4 =	vnsel vm0, $0x0, v5;
	_ =	sdelay $0x1  }
0x9f: {  	v5 =	vld [tilespmem:s13+$0x1AB10];
	v3 =	vadd.f32 v3, v2;
	_ =	sdelay $0x1  }
0xa0: {  	[tilespmem:s13+$0x1CAF0] =	vst v3  }
0xa1: {  	v3 =	vld.idx.msk [tilespmem:v4+s22+$0x0], vm0;
	_ =	sdelay $0x1  }
0xa2: {  	vm0 =	vlt.s32 v5, $0xC380  }
0xa3: {  	v4 =	vnsel vm0, $0x0, v5;
	_ =	sdelay $0x1  }
0xa4: {  	v5 =	vld [tilespmem:s13+$0x1AB20];
	v3 =	vadd.f32 v3, v2;
	_ =	sdelay $0x1  }
0xa5: {  	[tilespmem:s13+$0x1CB00] =	vst v3  }
0xa6: {  	v3 =	vld.idx.msk [tilespmem:v4+s22+$0x0], vm0;
	_ =	sdelay $0x1  }
0xa7: {  	vm0 =	vlt.s32 v5, $0xC380  }
0xa8: {  	v4 =	vnsel vm0, $0x0, v5;
	_ =	sdelay $0x1  }
0xa9: {  	v5 =	vld [tilespmem:s13+$0x1AB30];
	v3 =	vadd.f32 v3, v2;
	_ =	sdelay $0x1  }
0xaa: {  	[tilespmem:s13+$0x1CB10] =	vst v3  }
0xab: {  	v3 =	vld.idx.msk [tilespmem:v4+s22+$0x0], vm0;
	_ =	sdelay $0x1  }
0xac: {  	vm0 =	vlt.s32 v5, $0xC380  }
0xad: {  	v4 =	vnsel vm0, $0x0, v5;
	_ =	sdelay $0x1  }
0xae: {  	v5 =	vld [tilespmem:s13+$0x1AB40];
	v3 =	vadd.f32 v3, v2;
	_ =	sdelay $0x1  }
0xaf: {  	[tilespmem:s13+$0x1CB20] =	vst v3  }
0xb0: {  	v3 =	vld.idx.msk [tilespmem:v4+s22+$0x0], vm0;
	_ =	sdelay $0x1  }
0xb1: {  	vm0 =	vlt.s32 v5, $0xC380  }
0xb2: {  	v4 =	vnsel vm0, $0x0, v5;
	_ =	sdelay $0x1  }
0xb3: {  	v3 =	vadd.f32 v3, v2;
	_ =	sdelay $0x1  }
0xb4: {  	[tilespmem:s13+$0x1CB30] =	vst v3  }
0xb5: {  	v3 =	vld.idx.msk [tilespmem:v4+s22+$0x0], vm0;
	_ =	sdelay $0x4  }
0xb6: {  	v3 =	vadd.f32 v3, v2;
	_ =	sdelay $0x1  }
0xb7: {  	[tilespmem:s13+$0x1CB40] =	vst v3  }
0xb8: {  	[tilespmem:s22], [sflag:$0x2] =	stream.strided.gather [spmem:s11], $0xC300, s15, s14, $0x38;
	[tilespmem:$0x1EB50] =	vst v63  }
0xb9: {  	_ =	swait.ge [sflag:s21], $0xC300  }
0xba: {  	[sflag:s21] =	ssyncset.done $0x0  }
0xbb: {  	[sflag:s21] =	ssyncadd.s32 $0xFFFF3D00  }
0xbc: {  	v3 =	vld [tilespmem:$0x1A6D0]  }
0xbd: {  	v4 =	vld [tilespmem:$0x1A6E0];
	_ =	sdelay $0x3  }
0xbe: {  	[tilespmem:$0x1A650] =	vst v3  }
0xbf: {  	s31 =	simm.s32 $0x0;
	[tilespmem:$0x1A660] =	vst v4  }
0xc0: {  	v3 =	vld [tilespmem:s31+$0x1AAD0];
	_ =	sdelay $0x4  }
0xc1: {  	vm0 =	vgt.s32 v3, $0xC380  }
0xc2: {  	vm1 =	vgt.s32 v3, $0xC37F;
	v3 =	vnsel vm0, $0xC380, v3  }
0xc3: {  	v3 =	vadd.s32 $0xFFFF3C80, v3;
	_ =	sdelay $0x1  }
0xc4: {  	v4 =	vld [tilespmem:s31+$0x1AAE0];
	_ =	sdelay $0x2  }
0xc5: {  	v3 =	vld.idx.msk [tilespmem:v3+s22+$0x0], vm1;
	_ =	sdelay $0x1  }
0xc6: {  	v5 =	vld [tilespmem:s31+$0x1CAD0];
	vm0 =	vgt.s32 v4, $0xC380  }
0xc7: {  	vm2 =	vgt.s32 v4, $0xC37F;
	v4 =	vnsel vm0, $0xC380, v4  }
0xc8: {  	v4 =	vadd.s32 $0xFFFF3C80, v4  }
0xc9: {  	v3 =	vadd.f32 v3, v2  }
0xca: {  	v6 =	vld [tilespmem:s31+$0x1AAF0]  }
0xcb: {  	v3 =	vsel vm1, v3, v5  }
0xcc: {  	[tilespmem:s31+$0x1CAD0] =	vst v3  }
0xcd: {  	v3 =	vld.idx.msk [tilespmem:v4+s22+$0x0], vm2;
	_ =	sdelay $0x1  }
0xce: {  	vm0 =	vgt.s32 v6, $0xC380;
	v4 =	vld [tilespmem:s31+$0x1CAE0]  }
0xcf: {  	vm1 =	vgt.s32 v6, $0xC37F;
	v5 =	vnsel vm0, $0xC380, v6  }
0xd0: {  	v5 =	vadd.s32 $0xFFFF3C80, v5  }
0xd1: {  	v3 =	vadd.f32 v3, v2  }
0xd2: {  	v6 =	vld [tilespmem:s31+$0x1AB00]  }
0xd3: {  	v3 =	vsel vm2, v3, v4  }
0xd4: {  	[tilespmem:s31+$0x1CAE0] =	vst v3  }
0xd5: {  	v3 =	vld.idx.msk [tilespmem:v5+s22+$0x0], vm1;
	_ =	sdelay $0x1  }
0xd6: {  	vm0 =	vgt.s32 v6, $0xC380;
	v4 =	vld [tilespmem:s31+$0x1CAF0]  }
0xd7: {  	vm2 =	vgt.s32 v6, $0xC37F;
	v5 =	vnsel vm0, $0xC380, v6  }
0xd8: {  	v5 =	vadd.s32 $0xFFFF3C80, v5  }
0xd9: {  	v3 =	vadd.f32 v3, v2  }
0xda: {  	v6 =	vld [tilespmem:s31+$0x1AB10]  }
0xdb: {  	v3 =	vsel vm1, v3, v4  }
0xdc: {  	[tilespmem:s31+$0x1CAF0] =	vst v3  }
0xdd: {  	v3 =	vld.idx.msk [tilespmem:v5+s22+$0x0], vm2;
	_ =	sdelay $0x1  }
0xde: {  	vm0 =	vgt.s32 v6, $0xC380;
	v4 =	vld [tilespmem:s31+$0x1CB00]  }
0xdf: {  	vm1 =	vgt.s32 v6, $0xC37F;
	v5 =	vnsel vm0, $0xC380, v6  }
0xe0: {  	v5 =	vadd.s32 $0xFFFF3C80, v5  }
0xe1: {  	v3 =	vadd.f32 v3, v2  }
0xe2: {  	v6 =	vld [tilespmem:s31+$0x1AB20]  }
0xe3: {  	v3 =	vsel vm2, v3, v4  }
0xe4: {  	[tilespmem:s31+$0x1CB00] =	vst v3  }
0xe5: {  	v3 =	vld.idx.msk [tilespmem:v5+s22+$0x0], vm1;
	_ =	sdelay $0x1  }
0xe6: {  	vm0 =	vgt.s32 v6, $0xC380;
	v4 =	vld [tilespmem:s31+$0x1CB10]  }
0xe7: {  	vm2 =	vgt.s32 v6, $0xC37F;
	v5 =	vnsel vm0, $0xC380, v6  }
0xe8: {  	v5 =	vadd.s32 $0xFFFF3C80, v5  }
0xe9: {  	v3 =	vadd.f32 v3, v2;
	_ =	sdelay $0x1  }
0xea: {  	v6 =	vld [tilespmem:s31+$0x1AB30];
	v3 =	vsel vm1, v3, v4  }
0xeb: {  	[tilespmem:s31+$0x1CB10] =	vst v3  }
0xec: {  	v3 =	vld.idx.msk [tilespmem:v5+s22+$0x0], vm2;
	_ =	sdelay $0x1  }
0xed: {  	v4 =	vld [tilespmem:s31+$0x1CB20]  }
0xee: {  	vm1 =	vgt.s32 v6, $0xC380  }
0xef: {  	vm0 =	vgt.s32 v6, $0xC37F;
	v5 =	vnsel vm1, $0xC380, v6  }
0xf0: {  	v5 =	vadd.s32 $0xFFFF3C80, v5;
	v3 =	vadd.f32 v3, v2;
	_ =	sdelay $0x1  }
0xf1: {  	v3 =	vsel vm2, v3, v4;
	v4 =	vld [tilespmem:s31+$0x1AB40];
	_ =	sdelay $0x1  }
0xf2: {  	[tilespmem:s31+$0x1CB20] =	vst v3  }
0xf3: {  	v5 =	vld.idx.msk [tilespmem:v5+s22+$0x0], vm0;
	_ =	sdelay $0x1  }
0xf4: {  	v3 =	vld [tilespmem:s31+$0x1CB30];
	vm1 =	vgt.s32 v4, $0xC380  }
0xf5: {  	v6 =	vnsel vm1, $0xC380, v4;
	vm1 =	vgt.s32 v4, $0xC37F  }
0xf6: {  	v4 =	vadd.s32 $0xFFFF3C80, v6  }
0xf7: {  	v5 =	vadd.f32 v5, v2  }
0xf8: {  	s0 =	simm.s32 $0x400;
	s13 =	simm.s32 $0x80  }
.LBB2_6:
0xf9: {  	p2 =	sne.s32 s0, $0x7E00;
	v6 =	vld [tilespmem:s13+$0x1AAD0];
	v3 =	vsel vm0, v5, v3  }
0xfa: {  	[tilespmem:s31+$0x1CB30] =	vst v3  }
0xfb: {  	v3 =	vld.idx.msk [tilespmem:v4+s22+$0x0], vm1;
	_ =	sdelay $0x2  }
0xfc: {  	vm0 =	vgt.s32 v6, $0xC380;
	v4 =	vld [tilespmem:s31+$0x1CB40]  }
0xfd: {  	vm2 =	vgt.s32 v6, $0xC37F;
	v5 =	vnsel vm0, $0xC380, v6  }
0xfe: {  	v5 =	vadd.s32 $0xFFFF3C80, v5  }
0xff: {  	v3 =	vadd.f32 v3, v2;
	_ =	sdelay $0x1  }
0x100: {  	v6 =	vld [tilespmem:s13+$0x1AAE0];
	v3 =	vsel vm1, v3, v4  }
0x101: {  	[tilespmem:s31+$0x1CB40] =	vst v3;
	s31 =	smov.u32 s13  }
0x102: {  	v3 =	vld.idx.msk [tilespmem:v5+s22+$0x0], vm2;
	_ =	sdelay $0x2  }
0x103: {  	v4 =	vld [tilespmem:s31+$0x1CAD0];
	vm0 =	vgt.s32 v6, $0xC380  }
0x104: {  	vm1 =	vgt.s32 v6, $0xC37F;
	v5 =	vnsel vm0, $0xC380, v6  }
0x105: {  	v5 =	vadd.s32 $0xFFFF3C80, v5  }
0x106: {  	v3 =	vadd.f32 v3, v2;
	_ =	sdelay $0x1  }
0x107: {  	v3 =	vsel vm2, v3, v4;
	v4 =	vld [tilespmem:s31+$0x1AAF0]  }
0x108: {  	[tilespmem:s31+$0x1CAD0] =	vst v3  }
0x109: {  	v3 =	vld.idx.msk [tilespmem:v5+s22+$0x0], vm1;
	_ =	sdelay $0x2  }
0x10a: {  	v5 =	vld [tilespmem:s31+$0x1CAE0];
	vm0 =	vgt.s32 v4, $0xC380  }
0x10b: {  	vm2 =	vgt.s32 v4, $0xC37F;
	v4 =	vnsel vm0, $0xC380, v4  }
0x10c: {  	v4 =	vadd.s32 $0xFFFF3C80, v4  }
0x10d: {  	v3 =	vadd.f32 v3, v2;
	_ =	sdelay $0x1  }
0x10e: {  	v3 =	vsel vm1, v3, v5;
	v5 =	vld [tilespmem:s31+$0x1AB00]  }
0x10f: {  	[tilespmem:s31+$0x1CAE0] =	vst v3  }
0x110: {  	v3 =	vld.idx.msk [tilespmem:v4+s22+$0x0], vm2;
	_ =	sdelay $0x2  }
0x111: {  	v4 =	vld [tilespmem:s31+$0x1CAF0];
	vm0 =	vgt.s32 v5, $0xC380  }
0x112: {  	vm1 =	vgt.s32 v5, $0xC37F;
	v5 =	vnsel vm0, $0xC380, v5  }
0x113: {  	v5 =	vadd.s32 $0xFFFF3C80, v5  }
0x114: {  	v3 =	vadd.f32 v3, v2;
	_ =	sdelay $0x1  }
0x115: {  	v3 =	vsel vm2, v3, v4;
	v4 =	vld [tilespmem:s31+$0x1AB10]  }
0x116: {  	[tilespmem:s31+$0x1CAF0] =	vst v3  }
0x117: {  	v3 =	vld.idx.msk [tilespmem:v5+s22+$0x0], vm1;
	_ =	sdelay $0x2  }
0x118: {  	v5 =	vld [tilespmem:s31+$0x1CB00];
	vm0 =	vgt.s32 v4, $0xC380  }
0x119: {  	vm2 =	vgt.s32 v4, $0xC37F;
	v4 =	vnsel vm0, $0xC380, v4  }
0x11a: {  	v4 =	vadd.s32 $0xFFFF3C80, v4  }
0x11b: {  	v3 =	vadd.f32 v3, v2;
	_ =	sdelay $0x1  }
0x11c: {  	v3 =	vsel vm1, v3, v5;
	v5 =	vld [tilespmem:s31+$0x1AB20]  }
0x11d: {  	[tilespmem:s31+$0x1CB00] =	vst v3  }
0x11e: {  	v3 =	vld.idx.msk [tilespmem:v4+s22+$0x0], vm2;
	_ =	sdelay $0x2  }
0x11f: {  	v4 =	vld [tilespmem:s31+$0x1CB10];
	vm0 =	vgt.s32 v5, $0xC380  }
0x120: {  	vm1 =	vgt.s32 v5, $0xC37F;
	v5 =	vnsel vm0, $0xC380, v5  }
0x121: {  	v5 =	vadd.s32 $0xFFFF3C80, v5  }
0x122: {  	v3 =	vadd.f32 v3, v2;
	_ =	sdelay $0x1  }
0x123: {  	v3 =	vsel vm2, v3, v4;
	v4 =	vld [tilespmem:s31+$0x1AB30]  }
0x124: {  	[tilespmem:s31+$0x1CB10] =	vst v3  }
0x125: {  	v3 =	vld.idx.msk [tilespmem:v5+s22+$0x0], vm1;
	_ =	sdelay $0x2  }
0x126: {  	v5 =	vld [tilespmem:s31+$0x1CB20];
	vm2 =	vgt.s32 v4, $0xC380  }
0x127: {  	vm0 =	vgt.s32 v4, $0xC37F;
	v4 =	vnsel vm2, $0xC380, v4  }
0x128: {  	v4 =	vadd.s32 $0xFFFF3C80, v4  }
0x129: {  	v3 =	vadd.f32 v3, v2;
	_ =	sdelay $0x1  }
0x12a: {  	v3 =	vsel vm1, v3, v5;
	v5 =	vld [tilespmem:s31+$0x1AB40]  }
0x12b: {  	[tilespmem:s31+$0x1CB20] =	vst v3  }
0x12c: {  	v6 =	vld.idx.msk [tilespmem:v4+s22+$0x0], vm0;
	_ =	sdelay $0x2  }
.Ltmp1:
0x12d: {  	v3 =	vld [tilespmem:s31+$0x1CB30];
	vm2 =	vgt.s32 v5, $0xC380;
	(pc) =	sbr.rel @p2 .LBB2_6-.Ltmp1, $4  }
0x12e: {  	vm1 =	vgt.s32 v5, $0xC37F;
	v4 =	vnsel vm2, $0xC380, v5  }
0x12f: {  	v4 =	vadd.s32 $0xFFFF3C80, v4  }
0x130: {  	v5 =	vadd.f32 v6, v2  }
0x131: {  	s13 =	sshra.s32 s0, $0x2;
	s0 =	sadd.s32 $0x200, s0  }
0x132: {  	_ =	sdelay $0x1  }
0x133: {  	v6 =	vld [tilespmem:s13+$0x1AAD0]  }
0x134: {  	v3 =	vsel vm0, v5, v3  }
0x135: {  	[tilespmem:s31+$0x1CB30] =	vst v3  }
0x136: {  	v3 =	vld.idx.msk [tilespmem:v4+s22+$0x0], vm1;
	_ =	sdelay $0x1  }
0x137: {  	v40 =	vld [tilespmem:s31+$0x1CB40];
	vm13 =	vgt.s32 v6, $0xC380  }
0x138: {  	vm2 =	vgt.s32 v6, $0xC37F;
	v41 =	vnsel vm13, $0xC380, v6  }
0x139: {  	v5 =	vadd.s32 $0xFFFF3C80, v41  }
0x13a: {  	v3 =	vadd.f32 v3, v2  }
0x13b: {  	v42 =	vld [tilespmem:s13+$0x1AAE0]  }
0x13c: {  	v3 =	vsel vm1, v3, v40  }
0x13d: {  	[tilespmem:s31+$0x1CB40] =	vst v3  }
0x13e: {  	v3 =	vld.idx.msk [tilespmem:v5+s22+$0x0], vm2;
	_ =	sdelay $0x1  }
0x13f: {  	vm14 =	vgt.s32 v42, $0xC380;
	v43 =	vld [tilespmem:s13+$0x1CAD0]  }
0x140: {  	vm15 =	vgt.s32 v42, $0xC37F;
	v44 =	vnsel vm14, $0xC380, v42  }
0x141: {  	v5 =	vadd.s32 $0xFFFF3C80, v44  }
0x142: {  	v3 =	vadd.f32 v3, v2  }
0x143: {  	v45 =	vld [tilespmem:s13+$0x1AAF0]  }
0x144: {  	v3 =	vsel vm2, v3, v43  }
0x145: {  	[tilespmem:s13+$0x1CAD0] =	vst v3  }
0x146: {  	v3 =	vld.idx.msk [tilespmem:v5+s22+$0x0], vm15;
	_ =	sdelay $0x1  }
0x147: {  	v46 =	vld [tilespmem:s13+$0x1CAE0];
	vm4 =	vgt.s32 v45, $0xC380  }
0x148: {  	vm5 =	vgt.s32 v45, $0xC37F;
	v47 =	vnsel vm4, $0xC380, v45  }
0x149: {  	v5 =	vadd.s32 $0xFFFF3C80, v47  }
0x14a: {  	v3 =	vadd.f32 v3, v2  }
0x14b: {  	v48 =	vld [tilespmem:s13+$0x1AB00]  }
0x14c: {  	v3 =	vsel vm15, v3, v46  }
0x14d: {  	[tilespmem:s13+$0x1CAE0] =	vst v3  }
0x14e: {  	v3 =	vld.idx.msk [tilespmem:v5+s22+$0x0], vm5;
	_ =	sdelay $0x1  }
0x14f: {  	v49 =	vld [tilespmem:s13+$0x1CAF0];
	vm6 =	vgt.s32 v48, $0xC380  }
0x150: {  	vm7 =	vgt.s32 v48, $0xC37F;
	v50 =	vnsel vm6, $0xC380, v48  }
0x151: {  	v5 =	vadd.s32 $0xFFFF3C80, v50  }
0x152: {  	v3 =	vadd.f32 v3, v2  }
0x153: {  	v51 =	vld [tilespmem:s13+$0x1AB10]  }
0x154: {  	v3 =	vsel vm5, v3, v49  }
0x155: {  	[tilespmem:s13+$0x1CAF0] =	vst v3  }
0x156: {  	v3 =	vld.idx.msk [tilespmem:v5+s22+$0x0], vm7;
	_ =	sdelay $0x1  }
0x157: {  	v52 =	vld [tilespmem:s13+$0x1CB00];
	vm8 =	vgt.s32 v51, $0xC380  }
0x158: {  	vm9 =	vgt.s32 v51, $0xC37F;
	v53 =	vnsel vm8, $0xC380, v51  }
0x159: {  	v5 =	vadd.s32 $0xFFFF3C80, v53  }
0x15a: {  	v3 =	vadd.f32 v3, v2  }
0x15b: {  	v54 =	vld [tilespmem:s13+$0x1AB20]  }
0x15c: {  	v3 =	vsel vm7, v3, v52  }
0x15d: {  	[tilespmem:s13+$0x1CB00] =	vst v3  }
0x15e: {  	v3 =	vld.idx.msk [tilespmem:v5+s22+$0x0], vm9;
	_ =	sdelay $0x1  }
0x15f: {  	v55 =	vld [tilespmem:s13+$0x1CB10];
	vm10 =	vgt.s32 v54, $0xC380  }
0x160: {  	vm11 =	vgt.s32 v54, $0xC37F;
	v56 =	vnsel vm10, $0xC380, v54  }
0x161: {  	v5 =	vadd.s32 $0xFFFF3C80, v56  }
0x162: {  	v3 =	vadd.f32 v3, v2  }
0x163: {  	v57 =	vld [tilespmem:s13+$0x1AB30]  }
0x164: {  	v3 =	vsel vm9, v3, v55  }
0x165: {  	[tilespmem:s13+$0x1CB10] =	vst v3  }
0x166: {  	v3 =	vld.idx.msk [tilespmem:v5+s22+$0x0], vm11;
	_ =	sdelay $0x1  }
0x167: {  	v58 =	vld [tilespmem:s13+$0x1CB20];
	vm12 =	vgt.s32 v57, $0xC380  }
0x168: {  	vm13 =	vgt.s32 v57, $0xC37F;
	v59 =	vnsel vm12, $0xC380, v57  }
0x169: {  	v5 =	vadd.s32 $0xFFFF3C80, v59  }
0x16a: {  	v3 =	vadd.f32 v3, v2  }
0x16b: {  	v60 =	vld [tilespmem:s13+$0x1AB40]  }
0x16c: {  	v3 =	vsel vm11, v3, v58  }
0x16d: {  	[tilespmem:s13+$0x1CB20] =	vst v3  }
0x16e: {  	v3 =	vld.idx.msk [tilespmem:v5+s22+$0x0], vm13;
	_ =	sdelay $0x1  }
0x16f: {  	v61 =	vld [tilespmem:s13+$0x1CB30];
	vm14 =	vgt.s32 v60, $0xC380  }
0x170: {  	v62 =	vnsel vm14, $0xC380, v60;
	vm15 =	vgt.s32 v60, $0xC37F  }
0x171: {  	v5 =	vadd.s32 $0xFFFF3C80, v62  }
0x172: {  	v3 =	vadd.f32 v3, v2;
	_ =	sdelay $0x1  }
0x173: {  	v3 =	vsel vm13, v3, v61  }
0x174: {  	[tilespmem:s13+$0x1CB30] =	vst v3  }
0x175: {  	v3 =	vld.idx.msk [tilespmem:v5+s22+$0x0], vm15;
	_ =	sdelay $0x1  }
0x176: {  	v63 =	vld [tilespmem:s13+$0x1CB40];
	_ =	sdelay $0x2  }
0x177: {  	v2 =	vadd.f32 v3, v2;
	_ =	sdelay $0x1  }
0x178: {  	v2 =	vsel vm15, v2, v63  }
0x179: {  	[tilespmem:s13+$0x1CB40] =	vst v2  }
0x17a: {  	[spmem:s12] =	stream.strided.scatter [tilespmem:s23], [sflag:$0x2], $0x2000, s15, s14, $0x38;
	[tilespmem:$0x1EB50] =	vst v63  }
0x17b: {  	_ =	swait.ge [sflag:s21], $0x2000  }
0x17c: {  	[sflag:s21] =	ssyncset.done $0x0  }
0x17d: {  	s0 =	sshll.u32 @!p0 s30, $0xB;
	s30 =	simm.s32 @!p0 $0x1C01;
	[sflag:s21] =	ssyncadd.s32 $0xFFFFE000  }
0x17e: {  	s0 =	sadd.s32 @!p0 s0, s29;
	s13 =	sshrl.u32 @!p0 s3, $0x3;
	[bflag:$0x0] =	sbarrier.arrive $0xFFFF  }
0x17f: {  	[hbm:s0], [sflag:s30] =	dma.local @!p0 [spmem:s13], $0x4000  }
.Ltmp2:
0x180: {  	_ = 	snop;
	(pc) =	sbr.rel @p1 .LBB2_3-.Ltmp2, $4  }
0x181: {  	s0 =	simm.s32 @!p0 $0x1  }
0x182: {  	_ =	swait.ge @!p0 [sflag:s0], $0x4000  }
0x183: {  	[sflag:s0] =	ssyncset.done @!p0 $0x0  }
0x184: {  	p2 =	por $0x0, $0x0;
	[sflag:s0] =	ssyncadd.s32 @!p0 $0xFFFFC000;
	s0 =	simm.s32 $0x8  }
0x185: {  	s24 =	sadd.s32 $0x1, s24  }
0x186: {  	p1 =	sne.s32 s24, $0x1A  }
.Ltmp3:
0x187: {  	_ = 	snop;
	(pc) =	sbr.rel @p1 .LBB2_2-.Ltmp3, $1  }
0x188: {  	_ =	sdelay $0x3  }
0x189: {  	s4 =	sadd.s32 $0x1, s4;
	s0 =	rddreg [dreg:$0x6]  }
0x18a: {  	p1 =	sne.s32 s4, s0  }
.Ltmp4:
0x18b: {  	_ = 	snop;
	(pc) =	sbr.rel @p1 .LBB2_1-.Ltmp4, $1  }
0x18c: {  	_ =	sdelay $0x3  }
0x18d: {  	_ =	sfence.sel $0x180000  }
0x18e: {  	[bflag:$0x0] =	sbarrier.arrive $0xFFFF  }
0x18f: {  	_ =	strace $0x90000047  }
0x190: {  	[bflag:$0x2] =	sbarrier.arrive $0xFFFF  }
0x191: {  	s0 =	rddreg [dreg:$0x5]  }
0x192: {  	s0 =	sadd.s32 @!p0 $0x100000, s0  }
0x193: {  	[sflag:s0] =	ssyncadd.tile.s32 @!p0 $0x1;
	_ =	shalt  }
.Lfunc_end2:
_tile_overlayer_lowered:
.L_overlay_start_2:
0x194: {  	(tag) =	ssettag $0x2  }
0x195: {  	s0 =	rddreg [dreg:$0x0];
	s2 =	stileid.u32  }
0x196: {  	s1 =	rddreg [dreg:$0x1];
	p0 =	sne.s32 s2, $0x0  }
0x197: {  	s3 =	rddreg [dreg:$0x2];
	[bflag:$0x3] =	sbarrier.arrive $0xFFFF;
	s2 =	simm.s32 @!p0 $0x1C01  }
0x198: {  	[timem:s3], [sflag:s2] =	dma.local @!p0 [hbm:s0], s1  }
0x199: {  	s0 =	simm.s32 @!p0 $0x1  }
0x19a: {  	_ =	swait.ge @!p0 [sflag:s0], s1  }
0x19b: {  	s1 =	ssub.s32 @!p0 $0x0, s1;
	[sflag:s0] =	ssyncset.done @!p0 $0x0  }
0x19c: {  	[sflag:s0] =	ssyncadd.s32 @!p0 s1  }
0x19d: {  	[bflag:$0x3] =	sbarrier.arrive $0xFFFF  }
0x19e: {  	_ =	shalt  }

</sc_bundles>
